<compile_context>
chip_gen: v7x
topology: tpu7x:2x2x1
jax: 0.10.2.dev20260603
libtpu: 0.0.44.dev20260713+nightly
codegen_flags: <defaults>
</compile_context>

<pallas_src>
import functools

import jax
import jax.numpy as jnp
from jax import lax
from jax.experimental import pallas as pl
from jax.experimental.pallas import tpu as pltpu
from jax.experimental.pallas import tpu_sc as plsc

N_NODES = 10000
N_EDGES = 320000
IN_DIM = 128
HIDDEN = 256
OUT_DIM = 128
NUM_CAT, NUM_INGR, NUM_SHOP = 64, 1024, 256
EMB = 16
FUSE = 24
D1 = IN_DIM + FUSE

NC = 2
NS = 16
NW = NC * NS
CHUNK = 128
E_PER_TILE = N_EDGES // NW
N_PAIRS = 39
TAIL = 16
DEG_W = 128
ZROWS = N_NODES // NS

T1_BLK = 1000
T1_STEPS = N_NODES // T1_BLK


@functools.cache
def _make_sc_deg():
    mesh = plsc.VectorSubcoreMesh(core_axis_name="c", subcore_axis_name="s")

    @functools.partial(
        pl.kernel, mesh=mesh,
        out_type=jax.ShapeDtypeStruct((NC, N_NODES, DEG_W), jnp.float32),
        scratch_types=[
            pltpu.VMEM((CHUNK,), jnp.int32),
            pltpu.VMEM((CHUNK,), jnp.int32),
            pltpu.VMEM((TAIL,), jnp.int32),
            pltpu.VMEM((CHUNK, DEG_W), jnp.float32),
            pltpu.VMEM_SHARED((N_NODES, DEG_W), jnp.float32),
            pltpu.SemaphoreType.DMA,
            pltpu.SemaphoreType.DMA,
        ],
    )
    def sc_deg(dst_h, deg_out, di0, di1, dit, fill_v, acc, sem0, sem1):
        cid = lax.axis_index("c")
        sid = lax.axis_index("s")
        wid = cid * NS + sid
        base = wid * E_PER_TILE

        zeros16 = jnp.zeros((16,), jnp.float32)
        ones16 = jnp.ones((16,), jnp.float32)

        def fill(vec16):
            def st(i, c):
                fill_v[i // (DEG_W // 16),
                       pl.ds((i % (DEG_W // 16)) * 16, 16)] = vec16
                return c
            lax.fori_loop(0, CHUNK * (DEG_W // 16), st, 0)

        fill(zeros16)

        @pl.when(sid < 15)
        def _():
            def z(j, c):
                pltpu.sync_copy(fill_v,
                                acc.at[pl.ds(sid * 624 + j * CHUNK, CHUNK)])
                return c
            lax.fori_loop(0, 4, z, 0)
            pltpu.sync_copy(fill_v.at[pl.ds(0, 112)],
                            acc.at[pl.ds(sid * 624 + 512, 112)])

        @pl.when(sid == 15)
        def _():
            def z(j, c):
                pltpu.sync_copy(fill_v,
                                acc.at[pl.ds(9360 + j * CHUNK, CHUNK)])
                return c
            lax.fori_loop(0, 5, z, 0)

        fill(ones16)
        plsc.subcore_barrier()

        def deg_body(g, c):
            b0 = base + (2 * g) * CHUNK
            h0 = pltpu.async_copy(dst_h.at[pl.ds(b0, CHUNK)], di0, sem0)
            h1 = pltpu.async_copy(dst_h.at[pl.ds(b0 + CHUNK, CHUNK)], di1,
                                  sem1)
            h0.wait()
            pltpu.sync_copy(fill_v, acc.at[di0], add=True)
            h1.wait()
            pltpu.sync_copy(fill_v, acc.at[di1], add=True)
            return c
        lax.fori_loop(0, N_PAIRS, deg_body, 0)

        pltpu.sync_copy(dst_h.at[pl.ds(base + 2 * N_PAIRS * CHUNK, TAIL)], dit)
        pltpu.sync_copy(fill_v.at[pl.ds(0, TAIL)], acc.at[dit], add=True)
        plsc.subcore_barrier()

        @pl.when(sid < 15)
        def _():
            pltpu.sync_copy(acc.at[pl.ds(sid * 624, 624)],
                            deg_out.at[cid, pl.ds(sid * 624, 624)])

        @pl.when(sid == 15)
        def _():
            pltpu.sync_copy(acc.at[pl.ds(9360, 640)],
                            deg_out.at[cid, pl.ds(9360, 640)])

    return sc_deg


D = 128


@functools.cache
def _make_sc_agg():
    mesh = plsc.VectorSubcoreMesh(core_axis_name="c", subcore_axis_name="s")

    @functools.partial(
        pl.kernel, mesh=mesh,
        out_type=jax.ShapeDtypeStruct((NC, N_NODES, D), jnp.float32),
        scratch_types=[
            pltpu.VMEM((CHUNK,), jnp.int32),
            pltpu.VMEM((CHUNK,), jnp.int32),
            pltpu.VMEM((CHUNK,), jnp.int32),
            pltpu.VMEM((CHUNK,), jnp.int32),
            pltpu.VMEM((TAIL,), jnp.int32),
            pltpu.VMEM((TAIL,), jnp.int32),
            pltpu.VMEM((CHUNK, D), jnp.float32),
            pltpu.VMEM((CHUNK, D), jnp.float32),
            pltpu.VMEM_SHARED((N_NODES, D), jnp.float32),
            pltpu.SemaphoreType.DMA,
            pltpu.SemaphoreType.DMA,
            pltpu.SemaphoreType.DMA,
            pltpu.SemaphoreType.DMA,
            pltpu.SemaphoreType.DMA,
            pltpu.SemaphoreType.DMA,
        ],
    )
    def agg(val_h, src_h, dst_h, out_h, si0, si1, di0, di1, sit, dit,
            r0, r1, acc, ss0, ss1, sd0, sd1, sg0, sg1):
        cid = lax.axis_index("c")
        sid = lax.axis_index("s")
        wid = cid * NS + sid
        base = wid * E_PER_TILE

        @pl.when(sid < 15)
        def _():
            pltpu.sync_copy(val_h.at[pl.ds(sid * 624, 624)],
                            acc.at[pl.ds(sid * 624, 624)])

        @pl.when(sid == 15)
        def _():
            pltpu.sync_copy(val_h.at[pl.ds(9360, 640)],
                            acc.at[pl.ds(9360, 640)])
        plsc.subcore_barrier()

        def body(g, c):
            b0 = base + (2 * g) * CHUNK
            hs0 = pltpu.async_copy(src_h.at[pl.ds(b0, CHUNK)], si0, ss0)
            hd0 = pltpu.async_copy(dst_h.at[pl.ds(b0, CHUNK)], di0, sd0)
            hs1 = pltpu.async_copy(src_h.at[pl.ds(b0 + CHUNK, CHUNK)], si1,
                                   ss1)
            hd1 = pltpu.async_copy(dst_h.at[pl.ds(b0 + CHUNK, CHUNK)], di1,
                                   sd1)
            hs0.wait()
            hg0 = pltpu.async_copy(val_h.at[si0], r0, sg0)
            hs1.wait()
            hg1 = pltpu.async_copy(val_h.at[si1], r1, sg1)
            hg0.wait()
            hd0.wait()
            pltpu.sync_copy(r0, acc.at[di0], add=True)
            hg1.wait()
            hd1.wait()
            pltpu.sync_copy(r1, acc.at[di1], add=True)
            return c
        lax.fori_loop(0, N_PAIRS, body, 0)

        bt = base + 2 * N_PAIRS * CHUNK
        pltpu.sync_copy(src_h.at[pl.ds(bt, TAIL)], sit)
        pltpu.async_copy(val_h.at[sit], r0.at[pl.ds(0, TAIL)], sg0).wait()
        pltpu.sync_copy(dst_h.at[pl.ds(bt, TAIL)], dit)
        pltpu.sync_copy(r0.at[pl.ds(0, TAIL)], acc.at[dit], add=True)
        plsc.subcore_barrier()

        @pl.when(sid < 15)
        def _():
            pltpu.sync_copy(acc.at[pl.ds(sid * 624, 624)],
                            out_h.at[cid, pl.ds(sid * 624, 624)])

        @pl.when(sid == 15)
        def _():
            pltpu.sync_copy(acc.at[pl.ds(9360, 640)],
                            out_h.at[cid, pl.ds(9360, 640)])

    return agg


E2_PER_TILE = N_EDGES // NS
N2_PAIRS = 78
TAIL2 = 32


@functools.cache
def _make_sc_agg_cols():
    mesh = plsc.VectorSubcoreMesh(core_axis_name="c", subcore_axis_name="s")

    @functools.partial(
        pl.kernel, mesh=mesh,
        out_type=jax.ShapeDtypeStruct((NC, N_NODES, D), jnp.float32),
        scratch_types=[
            pltpu.VMEM((CHUNK,), jnp.int32),
            pltpu.VMEM((CHUNK,), jnp.int32),
            pltpu.VMEM((CHUNK,), jnp.int32),
            pltpu.VMEM((CHUNK,), jnp.int32),
            pltpu.VMEM((TAIL2,), jnp.int32),
            pltpu.VMEM((TAIL2,), jnp.int32),
            pltpu.VMEM((CHUNK, D), jnp.float32),
            pltpu.VMEM((CHUNK, D), jnp.float32),
            pltpu.VMEM_SHARED((N_NODES, D), jnp.float32),
            pltpu.SemaphoreType.DMA,
            pltpu.SemaphoreType.DMA,
            pltpu.SemaphoreType.DMA,
            pltpu.SemaphoreType.DMA,
            pltpu.SemaphoreType.DMA,
            pltpu.SemaphoreType.DMA,
        ],
    )
    def agg2(vals_h, src_h, dst_h, out_h, si0, si1, di0, di1, sit, dit,
             r0, r1, acc, ss0, ss1, sd0, sd1, sg0, sg1):
        cid = lax.axis_index("c")
        sid = lax.axis_index("s")
        base = sid * E2_PER_TILE
        val_h = vals_h.at[cid]

        @pl.when(sid < 15)
        def _():
            pltpu.sync_copy(val_h.at[pl.ds(sid * 624, 624)],
                            acc.at[pl.ds(sid * 624, 624)])

        @pl.when(sid == 15)
        def _():
            pltpu.sync_copy(val_h.at[pl.ds(9360, 640)],
                            acc.at[pl.ds(9360, 640)])
        plsc.subcore_barrier()

        def body(g, c):
            b0 = base + (2 * g) * CHUNK
            hs0 = pltpu.async_copy(src_h.at[pl.ds(b0, CHUNK)], si0, ss0)
            hd0 = pltpu.async_copy(dst_h.at[pl.ds(b0, CHUNK)], di0, sd0)
            hs1 = pltpu.async_copy(src_h.at[pl.ds(b0 + CHUNK, CHUNK)], si1,
                                   ss1)
            hd1 = pltpu.async_copy(dst_h.at[pl.ds(b0 + CHUNK, CHUNK)], di1,
                                   sd1)
            hs0.wait()
            hg0 = pltpu.async_copy(val_h.at[si0], r0, sg0)
            hs1.wait()
            hg1 = pltpu.async_copy(val_h.at[si1], r1, sg1)
            hg0.wait()
            hd0.wait()
            pltpu.sync_copy(r0, acc.at[di0], add=True)
            hg1.wait()
            hd1.wait()
            pltpu.sync_copy(r1, acc.at[di1], add=True)
            return c
        lax.fori_loop(0, N2_PAIRS, body, 0)

        bt = base + 2 * N2_PAIRS * CHUNK
        pltpu.sync_copy(src_h.at[pl.ds(bt, TAIL2)], sit)
        pltpu.async_copy(val_h.at[sit], r0.at[pl.ds(0, TAIL2)], sg0).wait()
        pltpu.sync_copy(dst_h.at[pl.ds(bt, TAIL2)], dit)
        pltpu.sync_copy(r0.at[pl.ds(0, TAIL2)], acc.at[dit], add=True)
        plsc.subcore_barrier()

        @pl.when(sid < 15)
        def _():
            pltpu.sync_copy(acc.at[pl.ds(sid * 624, 624)],
                            out_h.at[cid, pl.ds(sid * 624, 624)])

        @pl.when(sid == 15)
        def _():
            pltpu.sync_copy(acc.at[pl.ds(9360, 640)],
                            out_h.at[cid, pl.ds(9360, 640)])

    return agg2


def _t1_body(x_ref, ids_ref, ce_ref, ie_ref, se_ref, wf_ref, bf_ref,
             w1_ref, out_ref):
    ids = ids_ref[...]
    oh_c = (lax.broadcasted_iota(jnp.int32, (T1_BLK, NUM_CAT), 1)
            == ids[:, 0:1]).astype(jnp.float32)
    oh_i = (lax.broadcasted_iota(jnp.int32, (T1_BLK, NUM_INGR), 1)
            == ids[:, 1:2]).astype(jnp.float32)
    oh_s = (lax.broadcasted_iota(jnp.int32, (T1_BLK, NUM_SHOP), 1)
            == ids[:, 2:3]).astype(jnp.float32)
    e_c = jnp.dot(oh_c, ce_ref[...], preferred_element_type=jnp.float32)
    e_i = jnp.dot(oh_i, ie_ref[...], preferred_element_type=jnp.float32)
    e_s = jnp.dot(oh_s, se_ref[...], preferred_element_type=jnp.float32)

    fused_in = jnp.concatenate([e_c, e_i, e_s], axis=1)
    fused = jnp.dot(fused_in, wf_ref[...],
                    preferred_element_type=jnp.float32,
                    precision=lax.Precision.HIGHEST) + bf_ref[...]
    fused = jnp.maximum(fused, 0.0)
    h0 = jnp.concatenate([x_ref[...], fused], axis=1)
    val1 = jnp.dot(h0, w1_ref[...],
                   preferred_element_type=jnp.float32,
                   precision=lax.Precision.HIGHEST)
    out_ref[0, :, :] = val1[:, :D]
    out_ref[1, :, :] = val1[:, D:]


def _ts_body(v_ref, d_ref, out_ref):
    deg = jnp.sum(d_ref[...], axis=1) + 1.0
    dinv = lax.rsqrt(deg)
    out_ref[...] = v_ref[...] * dinv[None, :, None]


def _t2_body(g_ref, d_ref, b1_ref, bn_g_ref, bn_b_ref, w2_ref, out_ref):
    deg = jnp.sum(d_ref[...], axis=1) + 1.0
    dinv = lax.rsqrt(deg)

    h1 = g_ref[0] * dinv[:, None] + b1_ref[0]
    mean = jnp.mean(h1, axis=0)
    var = jnp.mean((h1 - mean) ** 2, axis=0)
    hbn = (h1 - mean) * lax.rsqrt(var + 1e-5) * bn_g_ref[0] + bn_b_ref[0]
    hbn = jnp.maximum(hbn, 0.0)
    xw2 = jnp.dot(hbn, w2_ref[...],
                  preferred_element_type=jnp.float32,
                  precision=lax.Precision.HIGHEST) * dinv[:, None]

    @pl.when(pl.program_id(0) == 0)
    def _():
        out_ref[...] = xw2

    @pl.when(pl.program_id(0) != 0)
    def _():
        out_ref[...] += xw2


def _t3_body(acc_ref, val2_ref, d_ref, b2_ref, out_ref):
    deg = jnp.sum(d_ref[...], axis=1) + 1.0
    dinv = lax.rsqrt(deg)
    a = acc_ref[...]
    out_ref[...] = (a[0] + a[1] - val2_ref[...]) * dinv[:, None] + b2_ref[...]


def kernel(x, edge_index, cat_id, ingr_id, shop_id, cat_emb, ingr_emb,
           shop_emb, Wf, bf, W1, b1, gamma, beta, W2, b2):
    src = edge_index[0].astype(jnp.int32)
    dst = edge_index[1].astype(jnp.int32)
    ids = jnp.stack([cat_id.astype(jnp.int32), ingr_id.astype(jnp.int32),
                     shop_id.astype(jnp.int32)], axis=1)

    dacc = _make_sc_deg()(dst)
    deg2 = dacc[:, :, 0].T

    vals1_raw = pl.pallas_call(
        _t1_body,
        grid=(T1_STEPS,),
        in_specs=[
            pl.BlockSpec((T1_BLK, IN_DIM), lambda i: (i, 0)),
            pl.BlockSpec((T1_BLK, 3), lambda i: (i, 0)),
            pl.BlockSpec((NUM_CAT, EMB), lambda i: (0, 0)),
            pl.BlockSpec((NUM_INGR, EMB), lambda i: (0, 0)),
            pl.BlockSpec((NUM_SHOP, EMB), lambda i: (0, 0)),
            pl.BlockSpec((EMB * 3, FUSE), lambda i: (0, 0)),
            pl.BlockSpec((1, FUSE), lambda i: (0, 0)),
            pl.BlockSpec((D1, HIDDEN), lambda i: (0, 0)),
        ],
        out_specs=pl.BlockSpec((NC, T1_BLK, D), lambda i: (0, i, 0)),
        out_shape=jax.ShapeDtypeStruct((NC, N_NODES, D), jnp.float32),
    )(x, ids, cat_emb, ingr_emb, shop_emb, Wf, bf.reshape(1, FUSE), W1)

    vals1 = pl.pallas_call(
        _ts_body,
        grid=(T1_STEPS,),
        in_specs=[
            pl.BlockSpec((NC, T1_BLK, D), lambda i: (0, i, 0)),
            pl.BlockSpec((T1_BLK, NC), lambda i: (i, 0)),
        ],
        out_specs=pl.BlockSpec((NC, T1_BLK, D), lambda i: (0, i, 0)),
        out_shape=jax.ShapeDtypeStruct((NC, N_NODES, D), jnp.float32),
    )(vals1_raw, deg2)

    gs = _make_sc_agg_cols()(vals1, src, dst)
    val2 = pl.pallas_call(
        _t2_body,
        grid=(2,),
        in_specs=[
            pl.BlockSpec((1, N_NODES, D), lambda j: (j, 0, 0)),
            pl.BlockSpec((N_NODES, NC), lambda j: (0, 0)),
            pl.BlockSpec((1, 1, D), lambda j: (j, 0, 0)),
            pl.BlockSpec((1, 1, D), lambda j: (j, 0, 0)),
            pl.BlockSpec((1, 1, D), lambda j: (j, 0, 0)),
            pl.BlockSpec((D, OUT_DIM), lambda j: (j, 0)),
        ],
        out_specs=pl.BlockSpec((N_NODES, OUT_DIM), lambda j: (0, 0)),
        out_shape=jax.ShapeDtypeStruct((N_NODES, OUT_DIM), jnp.float32),
    )(gs, deg2, b1.reshape(2, 1, D), gamma.reshape(2, 1, D),
      beta.reshape(2, 1, D), W2)

    acc2 = _make_sc_agg()(val2, src, dst)

    out = pl.pallas_call(
        _t3_body,
        out_shape=jax.ShapeDtypeStruct((N_NODES, OUT_DIM), jnp.float32),
    )(acc2, val2, deg2, b2.reshape(1, OUT_DIM))
    return out

# --- scband reference (transcript-rebuilt; emitter-appended) ---
"""Pipeline reference for scband-gnnrecommendation-20306605376038 (READ-ONLY COPY).

The authoritative reference and input builder live on the scoring server;
editing this copy changes nothing except your own understanding.
"""

import jax, jax.numpy as jnp
import numpy as np

N_NODES = 10000
N_EDGES = 320000
IN_DIM = 128
HIDDEN = 256
OUT_DIM = 128
NUM_CAT, NUM_INGR, NUM_SHOP = 64, 1024, 256
EMB = 16
FUSE = 24


def gcn_conv(x, edge_index, W, b):
    # Faithful PyG GCNConv: add self-loops, symmetric normalization D^-1/2 A_hat D^-1/2
    n = x.shape[0]
    loop = jnp.arange(n)
    src = jnp.concatenate([edge_index[0], loop])
    dst = jnp.concatenate([edge_index[1], loop])
    ew = jnp.ones(src.shape[0], dtype=x.dtype)
    deg = jnp.zeros(n, dtype=x.dtype).at[dst].add(ew)
    dinv = jnp.where(deg > 0, 1.0 / jnp.sqrt(deg), 0.0)
    norm = dinv[src] * dinv[dst] * ew
    xw = x @ W
    msg = xw[src] * norm[:, None]
    out = jnp.zeros((n, W.shape[1]), dtype=x.dtype).at[dst].add(msg)
    return out + b


def setup_inputs(seed: int = 0) -> dict:
    key = jax.random.key(seed)
    ks = jax.random.split(key, 20)
    x = jax.random.normal(ks[0], (N_NODES, IN_DIM), dtype=jnp.float32)
    edge_index = jax.random.randint(ks[1], (2, N_EDGES), 0, N_NODES)
    cat_id = jax.random.randint(ks[2], (N_NODES,), 0, NUM_CAT)
    ingr_id = jax.random.randint(ks[3], (N_NODES,), 0, NUM_INGR)
    shop_id = jax.random.randint(ks[4], (N_NODES,), 0, NUM_SHOP)
    cat_emb = jax.random.normal(ks[5], (NUM_CAT, EMB), dtype=jnp.float32)
    ingr_emb = jax.random.normal(ks[6], (NUM_INGR, EMB), dtype=jnp.float32)
    shop_emb = jax.random.normal(ks[7], (NUM_SHOP, EMB), dtype=jnp.float32)
    Wf = jax.random.normal(ks[8], (EMB * 3, FUSE), dtype=jnp.float32) * 0.05
    bf = jnp.zeros((FUSE,), dtype=jnp.float32)
    W1 = jax.random.normal(ks[9], (IN_DIM + FUSE, HIDDEN), dtype=jnp.float32) * 0.05
    b1 = jnp.zeros((HIDDEN,), dtype=jnp.float32)
    gamma = jnp.ones((HIDDEN,), dtype=jnp.float32)
    beta = jnp.zeros((HIDDEN,), dtype=jnp.float32)
    W2 = jax.random.normal(ks[10], (HIDDEN, OUT_DIM), dtype=jnp.float32) * 0.05
    b2 = jnp.zeros((OUT_DIM,), dtype=jnp.float32)
    return {"x": x, "edge_index": edge_index, "cat_id": cat_id, "ingr_id": ingr_id,
            "shop_id": shop_id, "cat_emb": cat_emb, "ingr_emb": ingr_emb,
            "shop_emb": shop_emb, "Wf": Wf, "bf": bf, "W1": W1, "b1": b1,
            "gamma": gamma, "beta": beta, "W2": W2, "b2": b2}


def reference(x, edge_index, cat_id, ingr_id, shop_id, cat_emb, ingr_emb, shop_emb,
              Wf, bf, W1, b1, gamma, beta, W2, b2):
    cat_vec = cat_emb[cat_id]
    ingr_vec = ingr_emb[ingr_id]
    shop_vec = shop_emb[shop_id]
    fused = jnp.concatenate([cat_vec, ingr_vec, shop_vec], axis=1)
    fused = jax.nn.relu(fused @ Wf + bf)
    h = jnp.concatenate([x, fused], axis=1)
    h = gcn_conv(h, edge_index, W1, b1)
    # BatchNorm1d in training mode (batch statistics)
    mean = jnp.mean(h, axis=0)
    var = jnp.var(h, axis=0)
    h = (h - mean) / jnp.sqrt(var + 1e-5) * gamma + beta
    h = jax.nn.relu(h)
    out = gcn_conv(h, edge_index, W2, b2)
    return out

if __name__ == "__main__":
    import jax
    _d = setup_inputs()
    print(jax.jit(kernel)(*tuple(_d.values())))

</pallas_src>

<mosaic_0001>
#map = affine_map<(d0, d1) -> (0)>
#map1 = affine_map<(d0, d1) -> (0, 0, 0)>
module attributes {stable_mosaic.version = 14 : i64} {
  func.func @sc_deg(%arg0: i32, %arg1: i32, %arg2: memref<320000xi32, #tpu.memory_space<hbm>>, %arg3: memref<2x10000x128xf32, #tpu.memory_space<hbm>>, %arg4: memref<128xi32, #tpu.memory_space<vmem>>, %arg5: memref<128xi32, #tpu.memory_space<vmem>>, %arg6: memref<16xi32, #tpu.memory_space<vmem>>, %arg7: memref<128x128xf32, #tpu.memory_space<vmem>>, %arg8: memref<10000x128xf32, #tpu.memory_space<vmem_shared>>, %arg9: memref<!tpu.dma_semaphore, #tpu.memory_space<semaphore_mem>>, %arg10: memref<!tpu.dma_semaphore, #tpu.memory_space<semaphore_mem>>) attributes {dimension_semantics = [#tpu.dimension_semantics<core_parallel>, #tpu.dimension_semantics<subcore_parallel>], iteration_bounds = array<i64: 2, 16>, scalar_prefetch = 0 : i64, scratch_operands = 7 : i64, tpu.core_type = #tpu.core_type<sc_vector_subcore>, window_params = [{transform_indices = #map}, {transform_indices = #map1}]} {
    %mul3A = arith.constant 16 : i32
    %mul3A_0 = arith.muli %arg0, %mul3A : i32
    %add3A = arith.addi %mul3A_0, %arg1 : i32
    %mul3A_1 = arith.constant 10000 : i32
    %mul3A_2 = arith.muli %add3A, %mul3A_1 : i32
    %broadcast_in_dim3A = arith.constant 0.000000e+00 : f32
    %broadcast_in_dim3A_3 = vector.broadcast %broadcast_in_dim3A : f32 to vector<16xf32>
    %broadcast_in_dim3A_4 = arith.constant 1.000000e+00 : f32
    %broadcast_in_dim3A_5 = vector.broadcast %broadcast_in_dim3A_4 : f32 to vector<16xf32>
    %scan3A = arith.constant 0 : i32
    %scan3A_6 = arith.constant 0 : i32
    %scan3A_7 = arith.constant 1024 : i32
    %scan3A_8 = arith.addi %scan3A_6, %scan3A_7 : i32
    %scan3A_9 = arith.constant 1 : i32
    scf.for %scan3A_42 = %scan3A_6 to %scan3A_8 step %scan3A_9  : i32 {
      %jit3A = arith.constant 8 : i32
      %div3A = arith.divsi %scan3A_42, %jit3A : i32
      %sign3A = arith.constant 0 : i32
      %sign3A_43 = arith.cmpi sgt, %scan3A_42, %sign3A : i32
      %sign3A_44 = arith.extui %sign3A_43 : i1 to i32
      %sign3A_45 = arith.constant 0 : i32
      %sign3A_46 = arith.cmpi slt, %scan3A_42, %sign3A_45 : i32
      %sign3A_47 = arith.extui %sign3A_46 : i1 to i32
      %sign3A_48 = arith.subi %sign3A_44, %sign3A_47 : i32
      %sign3A_49 = arith.constant 0 : i32
      %sign3A_50 = arith.cmpi sgt, %jit3A, %sign3A_49 : i32
      %sign3A_51 = arith.extui %sign3A_50 : i1 to i32
      %sign3A_52 = arith.constant 0 : i32
      %sign3A_53 = arith.cmpi slt, %jit3A, %sign3A_52 : i32
      %sign3A_54 = arith.extui %sign3A_53 : i1 to i32
      %sign3A_55 = arith.subi %sign3A_51, %sign3A_54 : i32
      %ne3A = arith.cmpi ne, %sign3A_48, %sign3A_55 : i32
      %rem3A = arith.remsi %scan3A_42, %jit3A : i32
      %ne3A_56 = arith.constant 0 : i32
      %ne3A_57 = arith.cmpi ne, %rem3A, %ne3A_56 : i32
      %and3A = arith.andi %ne3A, %ne3A_57 : i1
      %sub3A = arith.constant 1 : i32
      %sub3A_58 = arith.subi %div3A, %sub3A : i32
      %select_n3A = arith.select %and3A, %sub3A_58, %div3A : i32
      %jit3A_59 = arith.constant 8 : i32
      %eq3A_60 = arith.constant 0 : i32
      %eq3A_61 = arith.cmpi eq, %jit3A_59, %eq3A_60 : i32
      %jit3A_62 = arith.constant 1 : i32
      %select_n3A_63 = arith.select %eq3A_61, %jit3A_62, %jit3A_59 : i32
      %rem3A_64 = arith.remsi %scan3A_42, %select_n3A_63 : i32
      %ne3A_65 = arith.constant 0 : i32
      %ne3A_66 = arith.cmpi ne, %rem3A_64, %ne3A_65 : i32
      %lt3A_67 = arith.constant 0 : i32
      %lt3A_68 = arith.cmpi slt, %rem3A_64, %lt3A_67 : i32
      %lt3A_69 = arith.constant 0 : i32
      %lt3A_70 = arith.cmpi slt, %select_n3A_63, %lt3A_69 : i32
      %ne3A_71 = arith.xori %lt3A_68, %lt3A_70 : i1
      %and3A_72 = arith.andi %ne3A_71, %ne3A_66 : i1
      %add3A_73 = arith.addi %rem3A_64, %select_n3A_63 : i32
      %select_n3A_74 = arith.select %and3A_72, %add3A_73, %rem3A_64 : i32
      %mul3A_75 = arith.constant 16 : i32
      %mul3A_76 = arith.muli %select_n3A_74, %mul3A_75 : i32
      %swap3A = arith.index_cast %select_n3A : i32 to index
      %swap3A_77 = arith.index_cast %mul3A_76 : i32 to index
      %swap3A_78 = tpu.vector_load %arg7[%swap3A, %swap3A_77] {strides = array<i32>} : memref<128x128xf32, #tpu.memory_space<vmem>>, vector<1x16xf32>,
      %swap3A_79 = vector.shape_cast %swap3A_78 : vector<1x16xf32> to vector<16xf32>
      %swap3A_80 = vector.shape_cast %broadcast_in_dim3A_3 : vector<16xf32> to vector<1x16xf32>
      tpu.vector_store %arg7[%swap3A, %swap3A_77], %swap3A_80 {strides = array<i32>} : memref<128x128xf32, #tpu.memory_space<vmem>>, vector<1x16xf32>,
    }
    %scan3A_10 = arith.constant 1024 : i32
    %lt3A = arith.constant 15 : i32
    %lt3A_11 = arith.cmpi slt, %arg1, %lt3A : i32
    %convert_element_type3A = arith.extui %lt3A_11 : i1 to i32
    %cond3A = arith.constant 0 : i32
    %cond3A_12 = arith.cmpi ne, %convert_element_type3A, %cond3A : i32
    scf.if %cond3A_12 {
      %scan3A_42 = arith.constant 0 : i32
      %scan3A_43 = arith.constant 0 : i32
      %scan3A_44 = arith.constant 4 : i32
      %scan3A_45 = arith.addi %scan3A_43, %scan3A_44 : i32
      %scan3A_46 = arith.constant 1 : i32
      scf.for %scan3A_52 = %scan3A_43 to %scan3A_45 step %scan3A_46  : i32 {
        %mul3A_53 = arith.constant 624 : i32
        %mul3A_54 = arith.muli %arg1, %mul3A_53 : i32
        %mul3A_55 = arith.constant 128 : i32
        %mul3A_56 = arith.muli %scan3A_52, %mul3A_55 : i32
        %add3A_57 = arith.addi %mul3A_54, %mul3A_56 : i32
        "tpu.region"() ({
          %run_scoped3A = tpu.sem_alloc : memref<!tpu.dma_semaphore, #tpu.memory_space<semaphore_mem>>
          %dma_start3A = arith.constant 0 : i32
          %dma_start3A_58 = tpu.memref_slice %arg8[%add3A_57, %dma_start3A] : memref<10000x128xf32, #tpu.memory_space<vmem_shared>> -> memref<128x128xf32, #tpu.memory_space<vmem_shared>>
          %dma_start3A_59 = arith.constant 0 : i32
          %dma_start3A_60 = tpu.memref_slice %arg8[%add3A_57, %dma_start3A_59] : memref<10000x128xf32, #tpu.memory_space<vmem_shared>> -> memref<128x128xf32, #tpu.memory_space<vmem_shared>>
          tpu.enqueue_dma source(%arg7 : memref<128x128xf32, #tpu.memory_space<vmem>>) target(%dma_start3A_60 : memref<128x128xf32, #tpu.memory_space<vmem_shared>>) target_semaphore(%run_scoped3A : memref<!tpu.dma_semaphore, #tpu.memory_space<semaphore_mem>>)
          %dma_wait3A = arith.constant 0 : i32
          %dma_wait3A_61 = tpu.memref_slice %arg8[%add3A_57, %dma_wait3A] : memref<10000x128xf32, #tpu.memory_space<vmem_shared>> -> memref<128x128xf32, #tpu.memory_space<vmem_shared>>
          %dma_wait3A_62 = arith.constant 0 : i32
          %dma_wait3A_63 = tpu.memref_slice %arg8[%add3A_57, %dma_wait3A_62] : memref<10000x128xf32, #tpu.memory_space<vmem_shared>> -> memref<128x128xf32, #tpu.memory_space<vmem_shared>>
          tpu.wait_dma2 semaphore(%run_scoped3A : memref<!tpu.dma_semaphore, #tpu.memory_space<semaphore_mem>>) src(%arg7 : memref<128x128xf32, #tpu.memory_space<vmem>>) dst(%dma_wait3A_63 : memref<128x128xf32, #tpu.memory_space<vmem_shared>>)
          tpu.yield
        }) : () -> ()
      }
      %scan3A_47 = arith.constant 4 : i32
      %mul3A_48 = arith.constant 624 : i32
      %mul3A_49 = arith.muli %arg1, %mul3A_48 : i32
      %add3A_50 = arith.constant 512 : i32
      %add3A_51 = arith.addi %mul3A_49, %add3A_50 : i32
      "tpu.region"() ({
        %run_scoped3A = tpu.sem_alloc : memref<!tpu.dma_semaphore, #tpu.memory_space<semaphore_mem>>
        %dma_start3A = arith.constant 0 : i32
        %dma_start3A_52 = arith.constant 0 : i32
        %dma_start3A_53 = tpu.memref_slice %arg7[%dma_start3A, %dma_start3A_52] : memref<128x128xf32, #tpu.memory_space<vmem>> -> memref<112x128xf32, #tpu.memory_space<vmem>>
        %dma_start3A_54 = arith.constant 0 : i32
        %dma_start3A_55 = tpu.memref_slice %arg8[%add3A_51, %dma_start3A_54] : memref<10000x128xf32, #tpu.memory_space<vmem_shared>> -> memref<112x128xf32, #tpu.memory_space<vmem_shared>>
        %dma_start3A_56 = arith.constant 0 : i32
        %dma_start3A_57 = tpu.memref_slice %arg8[%add3A_51, %dma_start3A_56] : memref<10000x128xf32, #tpu.memory_space<vmem_shared>> -> memref<112x128xf32, #tpu.memory_space<vmem_shared>>
        %dma_start3A_58 = arith.constant 0 : i32
        %dma_start3A_59 = arith.constant 0 : i32
        %dma_start3A_60 = tpu.memref_slice %arg7[%dma_start3A_58, %dma_start3A_59] : memref<128x128xf32, #tpu.memory_space<vmem>> -> memref<112x128xf32, #tpu.memory_space<vmem>>
        tpu.enqueue_dma source(%dma_start3A_60 : memref<112x128xf32, #tpu.memory_space<vmem>>) target(%dma_start3A_57 : memref<112x128xf32, #tpu.memory_space<vmem_shared>>) target_semaphore(%run_scoped3A : memref<!tpu.dma_semaphore, #tpu.memory_space<semaphore_mem>>)
        %dma_wait3A = arith.constant 0 : i32
        %dma_wait3A_61 = arith.constant 0 : i32
        %dma_wait3A_62 = tpu.memref_slice %arg7[%dma_wait3A, %dma_wait3A_61] : memref<128x128xf32, #tpu.memory_space<vmem>> -> memref<112x128xf32, #tpu.memory_space<vmem>>
        %dma_wait3A_63 = arith.constant 0 : i32
        %dma_wait3A_64 = tpu.memref_slice %arg8[%add3A_51, %dma_wait3A_63] : memref<10000x128xf32, #tpu.memory_space<vmem_shared>> -> memref<112x128xf32, #tpu.memory_space<vmem_shared>>
        %dma_wait3A_65 = arith.constant 0 : i32
        %dma_wait3A_66 = tpu.memref_slice %arg8[%add3A_51, %dma_wait3A_65] : memref<10000x128xf32, #tpu.memory_space<vmem_shared>> -> memref<112x128xf32, #tpu.memory_space<vmem_shared>>
        %dma_wait3A_67 = arith.constant 0 : i32
        %dma_wait3A_68 = arith.constant 0 : i32
        %dma_wait3A_69 = tpu.memref_slice %arg7[%dma_wait3A_67, %dma_wait3A_68] : memref<128x128xf32, #tpu.memory_space<vmem>> -> memref<112x128xf32, #tpu.memory_space<vmem>>
        tpu.wait_dma2 semaphore(%run_scoped3A : memref<!tpu.dma_semaphore, #tpu.memory_space<semaphore_mem>>) src(%dma_wait3A_69 : memref<112x128xf32, #tpu.memory_space<vmem>>) dst(%dma_wait3A_66 : memref<112x128xf32, #tpu.memory_space<vmem_shared>>)
        tpu.yield
      }) : () -> ()
    } else {
    }
    %eq3A = arith.constant 15 : i32
    %eq3A_13 = arith.cmpi eq, %arg1, %eq3A : i32
    %convert_element_type3A_14 = arith.extui %eq3A_13 : i1 to i32
    %cond3A_15 = arith.constant 0 : i32
    %cond3A_16 = arith.cmpi ne, %convert_element_type3A_14, %cond3A_15 : i32
    scf.if %cond3A_16 {
      %scan3A_42 = arith.constant 0 : i32
      %scan3A_43 = arith.constant 0 : i32
      %scan3A_44 = arith.constant 5 : i32
      %scan3A_45 = arith.addi %scan3A_43, %scan3A_44 : i32
      %scan3A_46 = arith.constant 1 : i32
      scf.for %scan3A_48 = %scan3A_43 to %scan3A_45 step %scan3A_46  : i32 {
        %mul3A_49 = arith.constant 128 : i32
        %mul3A_50 = arith.muli %scan3A_48, %mul3A_49 : i32
        %add3A_51 = arith.constant 9360 : i32
        %add3A_52 = arith.addi %add3A_51, %mul3A_50 : i32
        "tpu.region"() ({
          %run_scoped3A = tpu.sem_alloc : memref<!tpu.dma_semaphore, #tpu.memory_space<semaphore_mem>>
          %dma_start3A = arith.constant 0 : i32
          %dma_start3A_53 = tpu.memref_slice %arg8[%add3A_52, %dma_start3A] : memref<10000x128xf32, #tpu.memory_space<vmem_shared>> -> memref<128x128xf32, #tpu.memory_space<vmem_shared>>
          %dma_start3A_54 = arith.constant 0 : i32
          %dma_start3A_55 = tpu.memref_slice %arg8[%add3A_52, %dma_start3A_54] : memref<10000x128xf32, #tpu.memory_space<vmem_shared>> -> memref<128x128xf32, #tpu.memory_space<vmem_shared>>
          tpu.enqueue_dma source(%arg7 : memref<128x128xf32, #tpu.memory_space<vmem>>) target(%dma_start3A_55 : memref<128x128xf32, #tpu.memory_space<vmem_shared>>) target_semaphore(%run_scoped3A : memref<!tpu.dma_semaphore, #tpu.memory_space<semaphore_mem>>)
          %dma_wait3A = arith.constant 0 : i32
          %dma_wait3A_56 = tpu.memref_slice %arg8[%add3A_52, %dma_wait3A] : memref<10000x128xf32, #tpu.memory_space<vmem_shared>> -> memref<128x128xf32, #tpu.memory_space<vmem_shared>>
          %dma_wait3A_57 = arith.constant 0 : i32
          %dma_wait3A_58 = tpu.memref_slice %arg8[%add3A_52, %dma_wait3A_57] : memref<10000x128xf32, #tpu.memory_space<vmem_shared>> -> memref<128x128xf32, #tpu.memory_space<vmem_shared>>
          tpu.wait_dma2 semaphore(%run_scoped3A : memref<!tpu.dma_semaphore, #tpu.memory_space<semaphore_mem>>) src(%arg7 : memref<128x128xf32, #tpu.memory_space<vmem>>) dst(%dma_wait3A_58 : memref<128x128xf32, #tpu.memory_space<vmem_shared>>)
          tpu.yield
        }) : () -> ()
      }
      %scan3A_47 = arith.constant 5 : i32
    } else {
    }
    %scan3A_17 = arith.constant 0 : i32
    %scan3A_18 = arith.constant 0 : i32
    %scan3A_19 = arith.constant 1024 : i32
    %scan3A_20 = arith.addi %scan3A_18, %scan3A_19 : i32
    %scan3A_21 = arith.constant 1 : i32
    scf.for %scan3A_42 = %scan3A_18 to %scan3A_20 step %scan3A_21  : i32 {
      %jit3A = arith.constant 8 : i32
      %div3A = arith.divsi %scan3A_42, %jit3A : i32
      %sign3A = arith.constant 0 : i32
      %sign3A_43 = arith.cmpi sgt, %scan3A_42, %sign3A : i32
      %sign3A_44 = arith.extui %sign3A_43 : i1 to i32
      %sign3A_45 = arith.constant 0 : i32
      %sign3A_46 = arith.cmpi slt, %scan3A_42, %sign3A_45 : i32
      %sign3A_47 = arith.extui %sign3A_46 : i1 to i32
      %sign3A_48 = arith.subi %sign3A_44, %sign3A_47 : i32
      %sign3A_49 = arith.constant 0 : i32
      %sign3A_50 = arith.cmpi sgt, %jit3A, %sign3A_49 : i32
      %sign3A_51 = arith.extui %sign3A_50 : i1 to i32
      %sign3A_52 = arith.constant 0 : i32
      %sign3A_53 = arith.cmpi slt, %jit3A, %sign3A_52 : i32
      %sign3A_54 = arith.extui %sign3A_53 : i1 to i32
      %sign3A_55 = arith.subi %sign3A_51, %sign3A_54 : i32
      %ne3A = arith.cmpi ne, %sign3A_48, %sign3A_55 : i32
      %rem3A = arith.remsi %scan3A_42, %jit3A : i32
      %ne3A_56 = arith.constant 0 : i32
      %ne3A_57 = arith.cmpi ne, %rem3A, %ne3A_56 : i32
      %and3A = arith.andi %ne3A, %ne3A_57 : i1
      %sub3A = arith.constant 1 : i32
      %sub3A_58 = arith.subi %div3A, %sub3A : i32
      %select_n3A = arith.select %and3A, %sub3A_58, %div3A : i32
      %jit3A_59 = arith.constant 8 : i32
      %eq3A_60 = arith.constant 0 : i32
      %eq3A_61 = arith.cmpi eq, %jit3A_59, %eq3A_60 : i32
      %jit3A_62 = arith.constant 1 : i32
      %select_n3A_63 = arith.select %eq3A_61, %jit3A_62, %jit3A_59 : i32
      %rem3A_64 = arith.remsi %scan3A_42, %select_n3A_63 : i32
      %ne3A_65 = arith.constant 0 : i32
      %ne3A_66 = arith.cmpi ne, %rem3A_64, %ne3A_65 : i32
      %lt3A_67 = arith.constant 0 : i32
      %lt3A_68 = arith.cmpi slt, %rem3A_64, %lt3A_67 : i32
      %lt3A_69 = arith.constant 0 : i32
      %lt3A_70 = arith.cmpi slt, %select_n3A_63, %lt3A_69 : i32
      %ne3A_71 = arith.xori %lt3A_68, %lt3A_70 : i1
      %and3A_72 = arith.andi %ne3A_71, %ne3A_66 : i1
      %add3A_73 = arith.addi %rem3A_64, %select_n3A_63 : i32
      %select_n3A_74 = arith.select %and3A_72, %add3A_73, %rem3A_64 : i32
      %mul3A_75 = arith.constant 16 : i32
      %mul3A_76 = arith.muli %select_n3A_74, %mul3A_75 : i32
      %swap3A = arith.index_cast %select_n3A : i32 to index
      %swap3A_77 = arith.index_cast %mul3A_76 : i32 to index
      %swap3A_78 = tpu.vector_load %arg7[%swap3A, %swap3A_77] {strides = array<i32>} : memref<128x128xf32, #tpu.memory_space<vmem>>, vector<1x16xf32>,
      %swap3A_79 = vector.shape_cast %swap3A_78 : vector<1x16xf32> to vector<16xf32>
      %swap3A_80 = vector.shape_cast %broadcast_in_dim3A_5 : vector<16xf32> to vector<1x16xf32>
      tpu.vector_store %arg7[%swap3A, %swap3A_77], %swap3A_80 {strides = array<i32>} : memref<128x128xf32, #tpu.memory_space<vmem>>, vector<1x16xf32>,
    }
    %scan3A_22 = arith.constant 1024 : i32
    %barrier3A = arith.constant 0 : index
    tpu.barrier barrier_id(%barrier3A)
    %scan3A_23 = arith.constant 0 : i32
    %scan3A_24 = arith.constant 0 : i32
    %scan3A_25 = arith.constant 39 : i32
    %scan3A_26 = arith.addi %scan3A_24, %scan3A_25 : i32
    %scan3A_27 = arith.constant 1 : i32
    scf.for %scan3A_42 = %scan3A_24 to %scan3A_26 step %scan3A_27  : i32 {
      %mul3A_43 = arith.constant 2 : i32
      %mul3A_44 = arith.muli %mul3A_43, %scan3A_42 : i32
      %mul3A_45 = arith.constant 128 : i32
      %mul3A_46 = arith.muli %mul3A_44, %mul3A_45 : i32
      %add3A_47 = arith.addi %mul3A_2, %mul3A_46 : i32
      %dma_start3A = tpu.memref_slice %arg2[%add3A_47] : memref<320000xi32, #tpu.memory_space<hbm>> -> memref<128xi32, #tpu.memory_space<hbm>>
      %dma_start3A_48 = tpu.memref_slice %arg2[%add3A_47] : memref<320000xi32, #tpu.memory_space<hbm>> -> memref<128xi32, #tpu.memory_space<hbm>>
      tpu.enqueue_dma source(%dma_start3A_48 : memref<128xi32, #tpu.memory_space<hbm>>) target(%arg4 : memref<128xi32, #tpu.memory_space<vmem>>) target_semaphore(%arg9 : memref<!tpu.dma_semaphore, #tpu.memory_space<semaphore_mem>>)
      %add3A_49 = arith.constant 128 : i32
      %add3A_50 = arith.addi %add3A_47, %add3A_49 : i32
      %dma_start3A_51 = tpu.memref_slice %arg2[%add3A_50] : memref<320000xi32, #tpu.memory_space<hbm>> -> memref<128xi32, #tpu.memory_space<hbm>>
      %dma_start3A_52 = tpu.memref_slice %arg2[%add3A_50] : memref<320000xi32, #tpu.memory_space<hbm>> -> memref<128xi32, #tpu.memory_space<hbm>>
      tpu.enqueue_dma source(%dma_start3A_52 : memref<128xi32, #tpu.memory_space<hbm>>) target(%arg5 : memref<128xi32, #tpu.memory_space<vmem>>) target_semaphore(%arg10 : memref<!tpu.dma_semaphore, #tpu.memory_space<semaphore_mem>>)
      %dma_wait3A = tpu.memref_slice %arg2[%add3A_47] : memref<320000xi32, #tpu.memory_space<hbm>> -> memref<128xi32, #tpu.memory_space<hbm>>
      %dma_wait3A_53 = tpu.memref_slice %arg2[%add3A_47] : memref<320000xi32, #tpu.memory_space<hbm>> -> memref<128xi32, #tpu.memory_space<hbm>>
      tpu.wait_dma2 semaphore(%arg9 : memref<!tpu.dma_semaphore, #tpu.memory_space<semaphore_mem>>) src(%dma_wait3A_53 : memref<128xi32, #tpu.memory_space<hbm>>) dst(%arg4 : memref<128xi32, #tpu.memory_space<vmem>>)
      "tpu.region"() ({
        %run_scoped3A = tpu.sem_alloc : memref<!tpu.dma_semaphore, #tpu.memory_space<semaphore_mem>>
        %dma_start3A_56 = arith.constant 0 : i32
        %dma_start3A_57 = arith.constant 0 : i32
        %dma_start3A_58 = tpu.memref_slice %arg8[%dma_start3A_56, %dma_start3A_57] : memref<10000x128xf32, #tpu.memory_space<vmem_shared>> -> memref<10000x128xf32, #tpu.memory_space<vmem_shared>>
        tpu.enqueue_indirect_dma source(%arg7 : memref<128x128xf32, #tpu.memory_space<vmem>>) target(%dma_start3A_58 : memref<10000x128xf32, #tpu.memory_space<vmem_shared>>) offsets(%arg4 : memref<128xi32, #tpu.memory_space<vmem>>) semaphore(%run_scoped3A : memref<!tpu.dma_semaphore, #tpu.memory_space<semaphore_mem>>) {add = true}
        %dma_wait3A_59 = arith.constant 0 : i32
        %dma_wait3A_60 = arith.constant 0 : i32
        %dma_wait3A_61 = tpu.memref_slice %arg8[%dma_wait3A_59, %dma_wait3A_60] : memref<10000x128xf32, #tpu.memory_space<vmem_shared>> -> memref<10000x128xf32, #tpu.memory_space<vmem_shared>>
        tpu.wait_indirect_dma semaphore(%run_scoped3A : memref<!tpu.dma_semaphore, #tpu.memory_space<semaphore_mem>>) src(%arg7 : memref<128x128xf32, #tpu.memory_space<vmem>>) dst(%dma_wait3A_61 : memref<10000x128xf32, #tpu.memory_space<vmem_shared>>)
        tpu.yield
      }) : () -> ()
      %dma_wait3A_54 = tpu.memref_slice %arg2[%add3A_50] : memref<320000xi32, #tpu.memory_space<hbm>> -> memref<128xi32, #tpu.memory_space<hbm>>
      %dma_wait3A_55 = tpu.memref_slice %arg2[%add3A_50] : memref<320000xi32, #tpu.memory_space<hbm>> -> memref<128xi32, #tpu.memory_space<hbm>>
      tpu.wait_dma2 semaphore(%arg10 : memref<!tpu.dma_semaphore, #tpu.memory_space<semaphore_mem>>) src(%dma_wait3A_55 : memref<128xi32, #tpu.memory_space<hbm>>) dst(%arg5 : memref<128xi32, #tpu.memory_space<vmem>>)
      "tpu.region"() ({
        %run_scoped3A = tpu.sem_alloc : memref<!tpu.dma_semaphore, #tpu.memory_space<semaphore_mem>>
        %dma_start3A_56 = arith.constant 0 : i32
        %dma_start3A_57 = arith.constant 0 : i32
        %dma_start3A_58 = tpu.memref_slice %arg8[%dma_start3A_56, %dma_start3A_57] : memref<10000x128xf32, #tpu.memory_space<vmem_shared>> -> memref<10000x128xf32, #tpu.memory_space<vmem_shared>>
        tpu.enqueue_indirect_dma source(%arg7 : memref<128x128xf32, #tpu.memory_space<vmem>>) target(%dma_start3A_58 : memref<10000x128xf32, #tpu.memory_space<vmem_shared>>) offsets(%arg5 : memref<128xi32, #tpu.memory_space<vmem>>) semaphore(%run_scoped3A : memref<!tpu.dma_semaphore, #tpu.memory_space<semaphore_mem>>) {add = true}
        %dma_wait3A_59 = arith.constant 0 : i32
        %dma_wait3A_60 = arith.constant 0 : i32
        %dma_wait3A_61 = tpu.memref_slice %arg8[%dma_wait3A_59, %dma_wait3A_60] : memref<10000x128xf32, #tpu.memory_space<vmem_shared>> -> memref<10000x128xf32, #tpu.memory_space<vmem_shared>>
        tpu.wait_indirect_dma semaphore(%run_scoped3A : memref<!tpu.dma_semaphore, #tpu.memory_space<semaphore_mem>>) src(%arg7 : memref<128x128xf32, #tpu.memory_space<vmem>>) dst(%dma_wait3A_61 : memref<10000x128xf32, #tpu.memory_space<vmem_shared>>)
        tpu.yield
      }) : () -> ()
    }
    %scan3A_28 = arith.constant 39 : i32
    %add3A_29 = arith.constant 9984 : i32
    %add3A_30 = arith.addi %mul3A_2, %add3A_29 : i32
    "tpu.region"() ({
      %run_scoped3A = tpu.sem_alloc : memref<!tpu.dma_semaphore, #tpu.memory_space<semaphore_mem>>
      %dma_start3A = tpu.memref_slice %arg2[%add3A_30] : memref<320000xi32, #tpu.memory_space<hbm>> -> memref<16xi32, #tpu.memory_space<hbm>>
      %dma_start3A_42 = tpu.memref_slice %arg2[%add3A_30] : memref<320000xi32, #tpu.memory_space<hbm>> -> memref<16xi32, #tpu.memory_space<hbm>>
      tpu.enqueue_dma source(%dma_start3A_42 : memref<16xi32, #tpu.memory_space<hbm>>) target(%arg6 : memref<16xi32, #tpu.memory_space<vmem>>) target_semaphore(%run_scoped3A : memref<!tpu.dma_semaphore, #tpu.memory_space<semaphore_mem>>)
      %dma_wait3A = tpu.memref_slice %arg2[%add3A_30] : memref<320000xi32, #tpu.memory_space<hbm>> -> memref<16xi32, #tpu.memory_space<hbm>>
      %dma_wait3A_43 = tpu.memref_slice %arg2[%add3A_30] : memref<320000xi32, #tpu.memory_space<hbm>> -> memref<16xi32, #tpu.memory_space<hbm>>
      tpu.wait_dma2 semaphore(%run_scoped3A : memref<!tpu.dma_semaphore, #tpu.memory_space<semaphore_mem>>) src(%dma_wait3A_43 : memref<16xi32, #tpu.memory_space<hbm>>) dst(%arg6 : memref<16xi32, #tpu.memory_space<vmem>>)
      tpu.yield
    }) : () -> ()
    "tpu.region"() ({
      %run_scoped3A = tpu.sem_alloc : memref<!tpu.dma_semaphore, #tpu.memory_space<semaphore_mem>>
      %dma_start3A = arith.constant 0 : i32
      %dma_start3A_42 = arith.constant 0 : i32
      %dma_start3A_43 = tpu.memref_slice %arg7[%dma_start3A, %dma_start3A_42] : memref<128x128xf32, #tpu.memory_space<vmem>> -> memref<16x128xf32, #tpu.memory_space<vmem>>
      %dma_start3A_44 = arith.constant 0 : i32
      %dma_start3A_45 = arith.constant 0 : i32
      %dma_start3A_46 = tpu.memref_slice %arg8[%dma_start3A_44, %dma_start3A_45] : memref<10000x128xf32, #tpu.memory_space<vmem_shared>> -> memref<10000x128xf32, #tpu.memory_space<vmem_shared>>
      tpu.enqueue_indirect_dma source(%dma_start3A_43 : memref<16x128xf32, #tpu.memory_space<vmem>>) target(%dma_start3A_46 : memref<10000x128xf32, #tpu.memory_space<vmem_shared>>) offsets(%arg6 : memref<16xi32, #tpu.memory_space<vmem>>) semaphore(%run_scoped3A : memref<!tpu.dma_semaphore, #tpu.memory_space<semaphore_mem>>) {add = true}
      %dma_wait3A = arith.constant 0 : i32
      %dma_wait3A_47 = arith.constant 0 : i32
      %dma_wait3A_48 = tpu.memref_slice %arg7[%dma_wait3A, %dma_wait3A_47] : memref<128x128xf32, #tpu.memory_space<vmem>> -> memref<16x128xf32, #tpu.memory_space<vmem>>
      %dma_wait3A_49 = arith.constant 0 : i32
      %dma_wait3A_50 = arith.constant 0 : i32
      %dma_wait3A_51 = tpu.memref_slice %arg8[%dma_wait3A_49, %dma_wait3A_50] : memref<10000x128xf32, #tpu.memory_space<vmem_shared>> -> memref<10000x128xf32, #tpu.memory_space<vmem_shared>>
      tpu.wait_indirect_dma semaphore(%run_scoped3A : memref<!tpu.dma_semaphore, #tpu.memory_space<semaphore_mem>>) src(%dma_wait3A_48 : memref<16x128xf32, #tpu.memory_space<vmem>>) dst(%dma_wait3A_51 : memref<10000x128xf32, #tpu.memory_space<vmem_shared>>)
      tpu.yield
    }) : () -> ()
    %barrier3A_31 = arith.constant 0 : index
    tpu.barrier barrier_id(%barrier3A_31)
    %lt3A_32 = arith.constant 15 : i32
    %lt3A_33 = arith.cmpi slt, %arg1, %lt3A_32 : i32
    %convert_element_type3A_34 = arith.extui %lt3A_33 : i1 to i32
    %cond3A_35 = arith.constant 0 : i32
    %cond3A_36 = arith.cmpi ne, %convert_element_type3A_34, %cond3A_35 : i32
    scf.if %cond3A_36 {
      %mul3A_42 = arith.constant 624 : i32
      %mul3A_43 = arith.muli %arg1, %mul3A_42 : i32
      %mul3A_44 = arith.constant 624 : i32
      %mul3A_45 = arith.muli %arg1, %mul3A_44 : i32
      "tpu.region"() ({
        %run_scoped3A = tpu.sem_alloc : memref<!tpu.dma_semaphore, #tpu.memory_space<semaphore_mem>>
        %dma_start3A = arith.constant 0 : i32
        %dma_start3A_46 = tpu.memref_slice %arg3[%arg0, %mul3A_45, %dma_start3A] : memref<2x10000x128xf32, #tpu.memory_space<hbm>> -> memref<1x624x128xf32, #tpu.memory_space<hbm>>
        %dma_start3A_47 = tpu.memref_squeeze %dma_start3A_46 : memref<1x624x128xf32, #tpu.memory_space<hbm>> -> memref<624x128xf32, #tpu.memory_space<hbm>>
        %dma_start3A_48 = arith.constant 0 : i32
        %dma_start3A_49 = tpu.memref_slice %arg8[%mul3A_43, %dma_start3A_48] : memref<10000x128xf32, #tpu.memory_space<vmem_shared>> -> memref<624x128xf32, #tpu.memory_space<vmem_shared>>
        tpu.enqueue_dma source(%dma_start3A_49 : memref<624x128xf32, #tpu.memory_space<vmem_shared>>) target(%dma_start3A_47 : memref<624x128xf32, #tpu.memory_space<hbm>>) target_semaphore(%run_scoped3A : memref<!tpu.dma_semaphore, #tpu.memory_space<semaphore_mem>>)
        %dma_wait3A = arith.constant 0 : i32
        %dma_wait3A_50 = tpu.memref_slice %arg3[%arg0, %mul3A_45, %dma_wait3A] : memref<2x10000x128xf32, #tpu.memory_space<hbm>> -> memref<1x624x128xf32, #tpu.memory_space<hbm>>
        %dma_wait3A_51 = tpu.memref_squeeze %dma_wait3A_50 : memref<1x624x128xf32, #tpu.memory_space<hbm>> -> memref<624x128xf32, #tpu.memory_space<hbm>>
        %dma_wait3A_52 = arith.constant 0 : i32
        %dma_wait3A_53 = tpu.memref_slice %arg8[%mul3A_43, %dma_wait3A_52] : memref<10000x128xf32, #tpu.memory_space<vmem_shared>> -> memref<624x128xf32, #tpu.memory_space<vmem_shared>>
        tpu.wait_dma2 semaphore(%run_scoped3A : memref<!tpu.dma_semaphore, #tpu.memory_space<semaphore_mem>>) src(%dma_wait3A_53 : memref<624x128xf32, #tpu.memory_space<vmem_shared>>) dst(%dma_wait3A_51 : memref<624x128xf32, #tpu.memory_space<hbm>>)
        tpu.yield
      }) : () -> ()
    } else {
    }
    %eq3A_37 = arith.constant 15 : i32
    %eq3A_38 = arith.cmpi eq, %arg1, %eq3A_37 : i32
    %convert_element_type3A_39 = arith.extui %eq3A_38 : i1 to i32
    %cond3A_40 = arith.constant 0 : i32
    %cond3A_41 = arith.cmpi ne, %convert_element_type3A_39, %cond3A_40 : i32
    scf.if %cond3A_41 {
      "tpu.region"() ({
        %run_scoped3A = tpu.sem_alloc : memref<!tpu.dma_semaphore, #tpu.memory_space<semaphore_mem>>
        %dma_start3A = arith.constant 9360 : i32
        %dma_start3A_42 = arith.constant 0 : i32
        %dma_start3A_43 = tpu.memref_slice %arg3[%arg0, %dma_start3A, %dma_start3A_42] : memref<2x10000x128xf32, #tpu.memory_space<hbm>> -> memref<1x640x128xf32, #tpu.memory_space<hbm>>
        %dma_start3A_44 = tpu.memref_squeeze %dma_start3A_43 : memref<1x640x128xf32, #tpu.memory_space<hbm>> -> memref<640x128xf32, #tpu.memory_space<hbm>>
        %dma_start3A_45 = arith.constant 9360 : i32
        %dma_start3A_46 = arith.constant 0 : i32
        %dma_start3A_47 = tpu.memref_slice %arg8[%dma_start3A_45, %dma_start3A_46] : memref<10000x128xf32, #tpu.memory_space<vmem_shared>> -> memref<640x128xf32, #tpu.memory_space<vmem_shared>>
        tpu.enqueue_dma source(%dma_start3A_47 : memref<640x128xf32, #tpu.memory_space<vmem_shared>>) target(%dma_start3A_44 : memref<640x128xf32, #tpu.memory_space<hbm>>) target_semaphore(%run_scoped3A : memref<!tpu.dma_semaphore, #tpu.memory_space<semaphore_mem>>)
        %dma_wait3A = arith.constant 9360 : i32
        %dma_wait3A_48 = arith.constant 0 : i32
        %dma_wait3A_49 = tpu.memref_slice %arg3[%arg0, %dma_wait3A, %dma_wait3A_48] : memref<2x10000x128xf32, #tpu.memory_space<hbm>> -> memref<1x640x128xf32, #tpu.memory_space<hbm>>
        %dma_wait3A_50 = tpu.memref_squeeze %dma_wait3A_49 : memref<1x640x128xf32, #tpu.memory_space<hbm>> -> memref<640x128xf32, #tpu.memory_space<hbm>>
        %dma_wait3A_51 = arith.constant 9360 : i32
        %dma_wait3A_52 = arith.constant 0 : i32
        %dma_wait3A_53 = tpu.memref_slice %arg8[%dma_wait3A_51, %dma_wait3A_52] : memref<10000x128xf32, #tpu.memory_space<vmem_shared>> -> memref<640x128xf32, #tpu.memory_space<vmem_shared>>
        tpu.wait_dma2 semaphore(%run_scoped3A : memref<!tpu.dma_semaphore, #tpu.memory_space<semaphore_mem>>) src(%dma_wait3A_53 : memref<640x128xf32, #tpu.memory_space<vmem_shared>>) dst(%dma_wait3A_50 : memref<640x128xf32, #tpu.memory_space<hbm>>)
        tpu.yield
      }) : () -> ()
    } else {
    }
    return
  }
}

#map = affine_map<(d0, d1) -> (0, 0, 0)>
#map1 = affine_map<(d0, d1) -> (0)>
module attributes {stable_mosaic.version = 14 : i64} {
  func.func @agg2(%arg0: i32, %arg1: i32, %arg2: memref<2x10000x128xf32, #tpu.memory_space<hbm>>, %arg3: memref<320000xi32, #tpu.memory_space<hbm>>, %arg4: memref<320000xi32, #tpu.memory_space<hbm>>, %arg5: memref<2x10000x128xf32, #tpu.memory_space<hbm>>, %arg6: memref<128xi32, #tpu.memory_space<vmem>>, %arg7: memref<128xi32, #tpu.memory_space<vmem>>, %arg8: memref<128xi32, #tpu.memory_space<vmem>>, %arg9: memref<128xi32, #tpu.memory_space<vmem>>, %arg10: memref<32xi32, #tpu.memory_space<vmem>>, %arg11: memref<32xi32, #tpu.memory_space<vmem>>, %arg12: memref<128x128xf32, #tpu.memory_space<vmem>>, %arg13: memref<128x128xf32, #tpu.memory_space<vmem>>, %arg14: memref<10000x128xf32, #tpu.memory_space<vmem_shared>>, %arg15: memref<!tpu.dma_semaphore, #tpu.memory_space<semaphore_mem>>, %arg16: memref<!tpu.dma_semaphore, #tpu.memory_space<semaphore_mem>>, %arg17: memref<!tpu.dma_semaphore, #tpu.memory_space<semaphore_mem>>, %arg18: memref<!tpu.dma_semaphore, #tpu.memory_space<semaphore_mem>>, %arg19: memref<!tpu.dma_semaphore, #tpu.memory_space<semaphore_mem>>, %arg20: memref<!tpu.dma_semaphore, #tpu.memory_space<semaphore_mem>>) attributes {dimension_semantics = [#tpu.dimension_semantics<core_parallel>, #tpu.dimension_semantics<subcore_parallel>], iteration_bounds = array<i64: 2, 16>, scalar_prefetch = 0 : i64, scratch_operands = 15 : i64, tpu.core_type = #tpu.core_type<sc_vector_subcore>, window_params = [{transform_indices = #map}, {transform_indices = #map1}, {transform_indices = #map1}, {transform_indices = #map}]} {
    %mul3A = arith.constant 20000 : i32
    %mul3A_0 = arith.muli %arg1, %mul3A : i32
    %lt3A = arith.constant 15 : i32
    %lt3A_1 = arith.cmpi slt, %arg1, %lt3A : i32
    %convert_element_type3A = arith.extui %lt3A_1 : i1 to i32
    %cond3A = arith.constant 0 : i32
    %cond3A_2 = arith.cmpi ne, %convert_element_type3A, %cond3A : i32
    scf.if %cond3A_2 {
      %mul3A_42 = arith.constant 624 : i32
      %mul3A_43 = arith.muli %arg1, %mul3A_42 : i32
      %mul3A_44 = arith.constant 624 : i32
      %mul3A_45 = arith.muli %arg1, %mul3A_44 : i32
      "tpu.region"() ({
        %run_scoped3A = tpu.sem_alloc : memref<!tpu.dma_semaphore, #tpu.memory_space<semaphore_mem>>
        %dma_start3A_46 = arith.constant 0 : i32
        %dma_start3A_47 = tpu.memref_slice %arg14[%mul3A_45, %dma_start3A_46] : memref<10000x128xf32, #tpu.memory_space<vmem_shared>> -> memref<624x128xf32, #tpu.memory_space<vmem_shared>>
        %dma_start3A_48 = arith.constant 0 : i32
        %dma_start3A_49 = arith.constant 0 : i32
        %dma_start3A_50 = tpu.memref_slice %arg2[%arg0, %dma_start3A_48, %dma_start3A_49] : memref<2x10000x128xf32, #tpu.memory_space<hbm>> -> memref<1x10000x128xf32, #tpu.memory_space<hbm>>
        %dma_start3A_51 = tpu.memref_squeeze %dma_start3A_50 : memref<1x10000x128xf32, #tpu.memory_space<hbm>> -> memref<10000x128xf32, #tpu.memory_space<hbm>>
        %dma_start3A_52 = arith.constant 0 : i32
        %dma_start3A_53 = tpu.memref_slice %dma_start3A_51[%mul3A_43, %dma_start3A_52] : memref<10000x128xf32, #tpu.memory_space<hbm>> -> memref<624x128xf32, #tpu.memory_space<hbm>>
        tpu.enqueue_dma source(%dma_start3A_53 : memref<624x128xf32, #tpu.memory_space<hbm>>) target(%dma_start3A_47 : memref<624x128xf32, #tpu.memory_space<vmem_shared>>) target_semaphore(%run_scoped3A : memref<!tpu.dma_semaphore, #tpu.memory_space<semaphore_mem>>)
        %dma_wait3A_54 = arith.constant 0 : i32
        %dma_wait3A_55 = tpu.memref_slice %arg14[%mul3A_45, %dma_wait3A_54] : memref<10000x128xf32, #tpu.memory_space<vmem_shared>> -> memref<624x128xf32, #tpu.memory_space<vmem_shared>>
        %dma_wait3A_56 = arith.constant 0 : i32
        %dma_wait3A_57 = arith.constant 0 : i32
        %dma_wait3A_58 = tpu.memref_slice %arg2[%arg0, %dma_wait3A_56, %dma_wait3A_57] : memref<2x10000x128xf32, #tpu.memory_space<hbm>> -> memref<1x10000x128xf32, #tpu.memory_space<hbm>>
        %dma_wait3A_59 = tpu.memref_squeeze %dma_wait3A_58 : memref<1x10000x128xf32, #tpu.memory_space<hbm>> -> memref<10000x128xf32, #tpu.memory_space<hbm>>
        %dma_wait3A_60 = arith.constant 0 : i32
        %dma_wait3A_61 = tpu.memref_slice %dma_wait3A_59[%mul3A_43, %dma_wait3A_60] : memref<10000x128xf32, #tpu.memory_space<hbm>> -> memref<624x128xf32, #tpu.memory_space<hbm>>
        tpu.wait_dma2 semaphore(%run_scoped3A : memref<!tpu.dma_semaphore, #tpu.memory_space<semaphore_mem>>) src(%dma_wait3A_61 : memref<624x128xf32, #tpu.memory_space<hbm>>) dst(%dma_wait3A_55 : memref<624x128xf32, #tpu.memory_space<vmem_shared>>)
        tpu.yield
      }) : () -> ()
    } else {
    }
    %eq3A = arith.constant 15 : i32
    %eq3A_3 = arith.cmpi eq, %arg1, %eq3A : i32
    %convert_element_type3A_4 = arith.extui %eq3A_3 : i1 to i32
    %cond3A_5 = arith.constant 0 : i32
    %cond3A_6 = arith.cmpi ne, %convert_element_type3A_4, %cond3A_5 : i32
    scf.if %cond3A_6 {
      "tpu.region"() ({
        %run_scoped3A = tpu.sem_alloc : memref<!tpu.dma_semaphore, #tpu.memory_space<semaphore_mem>>
        %dma_start3A_42 = arith.constant 9360 : i32
        %dma_start3A_43 = arith.constant 0 : i32
        %dma_start3A_44 = tpu.memref_slice %arg14[%dma_start3A_42, %dma_start3A_43] : memref<10000x128xf32, #tpu.memory_space<vmem_shared>> -> memref<640x128xf32, #tpu.memory_space<vmem_shared>>
        %dma_start3A_45 = arith.constant 0 : i32
        %dma_start3A_46 = arith.constant 0 : i32
        %dma_start3A_47 = tpu.memref_slice %arg2[%arg0, %dma_start3A_45, %dma_start3A_46] : memref<2x10000x128xf32, #tpu.memory_space<hbm>> -> memref<1x10000x128xf32, #tpu.memory_space<hbm>>
        %dma_start3A_48 = tpu.memref_squeeze %dma_start3A_47 : memref<1x10000x128xf32, #tpu.memory_space<hbm>> -> memref<10000x128xf32, #tpu.memory_space<hbm>>
        %dma_start3A_49 = arith.constant 9360 : i32
        %dma_start3A_50 = arith.constant 0 : i32
        %dma_start3A_51 = tpu.memref_slice %dma_start3A_48[%dma_start3A_49, %dma_start3A_50] : memref<10000x128xf32, #tpu.memory_space<hbm>> -> memref<640x128xf32, #tpu.memory_space<hbm>>
        tpu.enqueue_dma source(%dma_start3A_51 : memref<640x128xf32, #tpu.memory_space<hbm>>) target(%dma_start3A_44 : memref<640x128xf32, #tpu.memory_space<vmem_shared>>) target_semaphore(%run_scoped3A : memref<!tpu.dma_semaphore, #tpu.memory_space<semaphore_mem>>)
        %dma_wait3A_52 = arith.constant 9360 : i32
        %dma_wait3A_53 = arith.constant 0 : i32
        %dma_wait3A_54 = tpu.memref_slice %arg14[%dma_wait3A_52, %dma_wait3A_53] : memref<10000x128xf32, #tpu.memory_space<vmem_shared>> -> memref<640x128xf32, #tpu.memory_space<vmem_shared>>
        %dma_wait3A_55 = arith.constant 0 : i32
        %dma_wait3A_56 = arith.constant 0 : i32
        %dma_wait3A_57 = tpu.memref_slice %arg2[%arg0, %dma_wait3A_55, %dma_wait3A_56] : memref<2x10000x128xf32, #tpu.memory_space<hbm>> -> memref<1x10000x128xf32, #tpu.memory_space<hbm>>
        %dma_wait3A_58 = tpu.memref_squeeze %dma_wait3A_57 : memref<1x10000x128xf32, #tpu.memory_space<hbm>> -> memref<10000x128xf32, #tpu.memory_space<hbm>>
        %dma_wait3A_59 = arith.constant 9360 : i32
        %dma_wait3A_60 = arith.constant 0 : i32
        %dma_wait3A_61 = tpu.memref_slice %dma_wait3A_58[%dma_wait3A_59, %dma_wait3A_60] : memref<10000x128xf32, #tpu.memory_space<hbm>> -> memref<640x128xf32, #tpu.memory_space<hbm>>
        tpu.wait_dma2 semaphore(%run_scoped3A : memref<!tpu.dma_semaphore, #tpu.memory_space<semaphore_mem>>) src(%dma_wait3A_61 : memref<640x128xf32, #tpu.memory_space<hbm>>) dst(%dma_wait3A_54 : memref<640x128xf32, #tpu.memory_space<vmem_shared>>)
        tpu.yield
      }) : () -> ()
    } else {
    }
    %barrier3A = arith.constant 0 : index
    tpu.barrier barrier_id(%barrier3A)
    %scan3A = arith.constant 0 : i32
    %scan3A_7 = arith.constant 0 : i32
    %scan3A_8 = arith.constant 78 : i32
    %scan3A_9 = arith.addi %scan3A_7, %scan3A_8 : i32
    %scan3A_10 = arith.constant 1 : i32
    scf.for %scan3A_42 = %scan3A_7 to %scan3A_9 step %scan3A_10  : i32 {
      %mul3A_43 = arith.constant 2 : i32
      %mul3A_44 = arith.muli %mul3A_43, %scan3A_42 : i32
      %mul3A_45 = arith.constant 128 : i32
      %mul3A_46 = arith.muli %mul3A_44, %mul3A_45 : i32
      %add3A_47 = arith.addi %mul3A_0, %mul3A_46 : i32
      %dma_start3A_48 = tpu.memref_slice %arg3[%add3A_47] : memref<320000xi32, #tpu.memory_space<hbm>> -> memref<128xi32, #tpu.memory_space<hbm>>
      %dma_start3A_49 = tpu.memref_slice %arg3[%add3A_47] : memref<320000xi32, #tpu.memory_space<hbm>> -> memref<128xi32, #tpu.memory_space<hbm>>
      tpu.enqueue_dma source(%dma_start3A_49 : memref<128xi32, #tpu.memory_space<hbm>>) target(%arg6 : memref<128xi32, #tpu.memory_space<vmem>>) target_semaphore(%arg15 : memref<!tpu.dma_semaphore, #tpu.memory_space<semaphore_mem>>)
      %dma_start3A_50 = tpu.memref_slice %arg4[%add3A_47] : memref<320000xi32, #tpu.memory_space<hbm>> -> memref<128xi32, #tpu.memory_space<hbm>>
      %dma_start3A_51 = tpu.memref_slice %arg4[%add3A_47] : memref<320000xi32, #tpu.memory_space<hbm>> -> memref<128xi32, #tpu.memory_space<hbm>>
      tpu.enqueue_dma source(%dma_start3A_51 : memref<128xi32, #tpu.memory_space<hbm>>) target(%arg8 : memref<128xi32, #tpu.memory_space<vmem>>) target_semaphore(%arg17 : memref<!tpu.dma_semaphore, #tpu.memory_space<semaphore_mem>>)
      %add3A_52 = arith.constant 128 : i32
      %add3A_53 = arith.addi %add3A_47, %add3A_52 : i32
      %dma_start3A_54 = tpu.memref_slice %arg3[%add3A_53] : memref<320000xi32, #tpu.memory_space<hbm>> -> memref<128xi32, #tpu.memory_space<hbm>>
      %dma_start3A_55 = tpu.memref_slice %arg3[%add3A_53] : memref<320000xi32, #tpu.memory_space<hbm>> -> memref<128xi32, #tpu.memory_space<hbm>>
      tpu.enqueue_dma source(%dma_start3A_55 : memref<128xi32, #tpu.memory_space<hbm>>) target(%arg7 : memref<128xi32, #tpu.memory_space<vmem>>) target_semaphore(%arg16 : memref<!tpu.dma_semaphore, #tpu.memory_space<semaphore_mem>>)
      %add3A_56 = arith.constant 128 : i32
      %add3A_57 = arith.addi %add3A_47, %add3A_56 : i32
      %dma_start3A_58 = tpu.memref_slice %arg4[%add3A_57] : memref<320000xi32, #tpu.memory_space<hbm>> -> memref<128xi32, #tpu.memory_space<hbm>>
      %dma_start3A_59 = tpu.memref_slice %arg4[%add3A_57] : memref<320000xi32, #tpu.memory_space<hbm>> -> memref<128xi32, #tpu.memory_space<hbm>>
      tpu.enqueue_dma source(%dma_start3A_59 : memref<128xi32, #tpu.memory_space<hbm>>) target(%arg9 : memref<128xi32, #tpu.memory_space<vmem>>) target_semaphore(%arg18 : memref<!tpu.dma_semaphore, #tpu.memory_space<semaphore_mem>>)
      %dma_wait3A_60 = tpu.memref_slice %arg3[%add3A_47] : memref<320000xi32, #tpu.memory_space<hbm>> -> memref<128xi32, #tpu.memory_space<hbm>>
      %dma_wait3A_61 = tpu.memref_slice %arg3[%add3A_47] : memref<320000xi32, #tpu.memory_space<hbm>> -> memref<128xi32, #tpu.memory_space<hbm>>
      tpu.wait_dma2 semaphore(%arg15 : memref<!tpu.dma_semaphore, #tpu.memory_space<semaphore_mem>>) src(%dma_wait3A_61 : memref<128xi32, #tpu.memory_space<hbm>>) dst(%arg6 : memref<128xi32, #tpu.memory_space<vmem>>)
      %dma_start3A_62 = arith.constant 0 : i32
      %dma_start3A_63 = arith.constant 0 : i32
      %dma_start3A_64 = tpu.memref_slice %arg2[%arg0, %dma_start3A_62, %dma_start3A_63] : memref<2x10000x128xf32, #tpu.memory_space<hbm>> -> memref<1x10000x128xf32, #tpu.memory_space<hbm>>
      %dma_start3A_65 = tpu.memref_squeeze %dma_start3A_64 : memref<1x10000x128xf32, #tpu.memory_space<hbm>> -> memref<10000x128xf32, #tpu.memory_space<hbm>>
      %dma_start3A_66 = arith.constant 0 : i32
      %dma_start3A_67 = arith.constant 0 : i32
      %dma_start3A_68 = tpu.memref_slice %dma_start3A_65[%dma_start3A_66, %dma_start3A_67] : memref<10000x128xf32, #tpu.memory_space<hbm>> -> memref<10000x128xf32, #tpu.memory_space<hbm>>
      tpu.enqueue_indirect_dma source(%dma_start3A_68 : memref<10000x128xf32, #tpu.memory_space<hbm>>) target(%arg12 : memref<128x128xf32, #tpu.memory_space<vmem>>) offsets(%arg6 : memref<128xi32, #tpu.memory_space<vmem>>) semaphore(%arg19 : memref<!tpu.dma_semaphore, #tpu.memory_space<semaphore_mem>>)
      %dma_wait3A_69 = tpu.memref_slice %arg3[%add3A_53] : memref<320000xi32, #tpu.memory_space<hbm>> -> memref<128xi32, #tpu.memory_space<hbm>>
      %dma_wait3A_70 = tpu.memref_slice %arg3[%add3A_53] : memref<320000xi32, #tpu.memory_space<hbm>> -> memref<128xi32, #tpu.memory_space<hbm>>
      tpu.wait_dma2 semaphore(%arg16 : memref<!tpu.dma_semaphore, #tpu.memory_space<semaphore_mem>>) src(%dma_wait3A_70 : memref<128xi32, #tpu.memory_space<hbm>>) dst(%arg7 : memref<128xi32, #tpu.memory_space<vmem>>)
      %dma_start3A_71 = arith.constant 0 : i32
      %dma_start3A_72 = arith.constant 0 : i32
      %dma_start3A_73 = tpu.memref_slice %arg2[%arg0, %dma_start3A_71, %dma_start3A_72] : memref<2x10000x128xf32, #tpu.memory_space<hbm>> -> memref<1x10000x128xf32, #tpu.memory_space<hbm>>
      %dma_start3A_74 = tpu.memref_squeeze %dma_start3A_73 : memref<1x10000x128xf32, #tpu.memory_space<hbm>> -> memref<10000x128xf32, #tpu.memory_space<hbm>>
      %dma_start3A_75 = arith.constant 0 : i32
      %dma_start3A_76 = arith.constant 0 : i32
      %dma_start3A_77 = tpu.memref_slice %dma_start3A_74[%dma_start3A_75, %dma_start3A_76] : memref<10000x128xf32, #tpu.memory_space<hbm>> -> memref<10000x128xf32, #tpu.memory_space<hbm>>
      tpu.enqueue_indirect_dma source(%dma_start3A_77 : memref<10000x128xf32, #tpu.memory_space<hbm>>) target(%arg13 : memref<128x128xf32, #tpu.memory_space<vmem>>) offsets(%arg7 : memref<128xi32, #tpu.memory_space<vmem>>) semaphore(%arg20 : memref<!tpu.dma_semaphore, #tpu.memory_space<semaphore_mem>>)
      %dma_wait3A_78 = arith.constant 0 : i32
      %dma_wait3A_79 = arith.constant 0 : i32
      %dma_wait3A_80 = tpu.memref_slice %arg2[%arg0, %dma_wait3A_78, %dma_wait3A_79] : memref<2x10000x128xf32, #tpu.memory_space<hbm>> -> memref<1x10000x128xf32, #tpu.memory_space<hbm>>
      %dma_wait3A_81 = tpu.memref_squeeze %dma_wait3A_80 : memref<1x10000x128xf32, #tpu.memory_space<hbm>> -> memref<10000x128xf32, #tpu.memory_space<hbm>>
      %dma_wait3A_82 = arith.constant 0 : i32
      %dma_wait3A_83 = arith.constant 0 : i32
      %dma_wait3A_84 = tpu.memref_slice %dma_wait3A_81[%dma_wait3A_82, %dma_wait3A_83] : memref<10000x128xf32, #tpu.memory_space<hbm>> -> memref<10000x128xf32, #tpu.memory_space<hbm>>
      tpu.wait_indirect_dma semaphore(%arg19 : memref<!tpu.dma_semaphore, #tpu.memory_space<semaphore_mem>>) src(%dma_wait3A_84 : memref<10000x128xf32, #tpu.memory_space<hbm>>) dst(%arg12 : memref<128x128xf32, #tpu.memory_space<vmem>>)
      %dma_wait3A_85 = tpu.memref_slice %arg4[%add3A_47] : memref<320000xi32, #tpu.memory_space<hbm>> -> memref<128xi32, #tpu.memory_space<hbm>>
      %dma_wait3A_86 = tpu.memref_slice %arg4[%add3A_47] : memref<320000xi32, #tpu.memory_space<hbm>> -> memref<128xi32, #tpu.memory_space<hbm>>
      tpu.wait_dma2 semaphore(%arg17 : memref<!tpu.dma_semaphore, #tpu.memory_space<semaphore_mem>>) src(%dma_wait3A_86 : memref<128xi32, #tpu.memory_space<hbm>>) dst(%arg8 : memref<128xi32, #tpu.memory_space<vmem>>)
      "tpu.region"() ({
        %run_scoped3A = tpu.sem_alloc : memref<!tpu.dma_semaphore, #tpu.memory_space<semaphore_mem>>
        %dma_start3A_96 = arith.constant 0 : i32
        %dma_start3A_97 = arith.constant 0 : i32
        %dma_start3A_98 = tpu.memref_slice %arg14[%dma_start3A_96, %dma_start3A_97] : memref<10000x128xf32, #tpu.memory_space<vmem_shared>> -> memref<10000x128xf32, #tpu.memory_space<vmem_shared>>
        tpu.enqueue_indirect_dma source(%arg12 : memref<128x128xf32, #tpu.memory_space<vmem>>) target(%dma_start3A_98 : memref<10000x128xf32, #tpu.memory_space<vmem_shared>>) offsets(%arg8 : memref<128xi32, #tpu.memory_space<vmem>>) semaphore(%run_scoped3A : memref<!tpu.dma_semaphore, #tpu.memory_space<semaphore_mem>>) {add = true}
        %dma_wait3A_99 = arith.constant 0 : i32
        %dma_wait3A_100 = arith.constant 0 : i32
        %dma_wait3A_101 = tpu.memref_slice %arg14[%dma_wait3A_99, %dma_wait3A_100] : memref<10000x128xf32, #tpu.memory_space<vmem_shared>> -> memref<10000x128xf32, #tpu.memory_space<vmem_shared>>
        tpu.wait_indirect_dma semaphore(%run_scoped3A : memref<!tpu.dma_semaphore, #tpu.memory_space<semaphore_mem>>) src(%arg12 : memref<128x128xf32, #tpu.memory_space<vmem>>) dst(%dma_wait3A_101 : memref<10000x128xf32, #tpu.memory_space<vmem_shared>>)
        tpu.yield
      }) : () -> ()
      %dma_wait3A_87 = arith.constant 0 : i32
      %dma_wait3A_88 = arith.constant 0 : i32
      %dma_wait3A_89 = tpu.memref_slice %arg2[%arg0, %dma_wait3A_87, %dma_wait3A_88] : memref<2x10000x128xf32, #tpu.memory_space<hbm>> -> memref<1x10000x128xf32, #tpu.memory_space<hbm>>
      %dma_wait3A_90 = tpu.memref_squeeze %dma_wait3A_89 : memref<1x10000x128xf32, #tpu.memory_space<hbm>> -> memref<10000x128xf32, #tpu.memory_space<hbm>>
      %dma_wait3A_91 = arith.constant 0 : i32
      %dma_wait3A_92 = arith.constant 0 : i32
      %dma_wait3A_93 = tpu.memref_slice %dma_wait3A_90[%dma_wait3A_91, %dma_wait3A_92] : memref<10000x128xf32, #tpu.memory_space<hbm>> -> memref<10000x128xf32, #tpu.memory_space<hbm>>
      tpu.wait_indirect_dma semaphore(%arg20 : memref<!tpu.dma_semaphore, #tpu.memory_space<semaphore_mem>>) src(%dma_wait3A_93 : memref<10000x128xf32, #tpu.memory_space<hbm>>) dst(%arg13 : memref<128x128xf32, #tpu.memory_space<vmem>>)
      %dma_wait3A_94 = tpu.memref_slice %arg4[%add3A_57] : memref<320000xi32, #tpu.memory_space<hbm>> -> memref<128xi32, #tpu.memory_space<hbm>>
      %dma_wait3A_95 = tpu.memref_slice %arg4[%add3A_57] : memref<320000xi32, #tpu.memory_space<hbm>> -> memref<128xi32, #tpu.memory_space<hbm>>
      tpu.wait_dma2 semaphore(%arg18 : memref<!tpu.dma_semaphore, #tpu.memory_space<semaphore_mem>>) src(%dma_wait3A_95 : memref<128xi32, #tpu.memory_space<hbm>>) dst(%arg9 : memref<128xi32, #tpu.memory_space<vmem>>)
      "tpu.region"() ({
        %run_scoped3A = tpu.sem_alloc : memref<!tpu.dma_semaphore, #tpu.memory_space<semaphore_mem>>
        %dma_start3A_96 = arith.constant 0 : i32
        %dma_start3A_97 = arith.constant 0 : i32
        %dma_start3A_98 = tpu.memref_slice %arg14[%dma_start3A_96, %dma_start3A_97] : memref<10000x128xf32, #tpu.memory_space<vmem_shared>> -> memref<10000x128xf32, #tpu.memory_space<vmem_shared>>
        tpu.enqueue_indirect_dma source(%arg13 : memref<128x128xf32, #tpu.memory_space<vmem>>) target(%dma_start3A_98 : memref<10000x128xf32, #tpu.memory_space<vmem_shared>>) offsets(%arg9 : memref<128xi32, #tpu.memory_space<vmem>>) semaphore(%run_scoped3A : memref<!tpu.dma_semaphore, #tpu.memory_space<semaphore_mem>>) {add = true}
        %dma_wait3A_99 = arith.constant 0 : i32
        %dma_wait3A_100 = arith.constant 0 : i32
        %dma_wait3A_101 = tpu.memref_slice %arg14[%dma_wait3A_99, %dma_wait3A_100] : memref<10000x128xf32, #tpu.memory_space<vmem_shared>> -> memref<10000x128xf32, #tpu.memory_space<vmem_shared>>
        tpu.wait_indirect_dma semaphore(%run_scoped3A : memref<!tpu.dma_semaphore, #tpu.memory_space<semaphore_mem>>) src(%arg13 : memref<128x128xf32, #tpu.memory_space<vmem>>) dst(%dma_wait3A_101 : memref<10000x128xf32, #tpu.memory_space<vmem_shared>>)
        tpu.yield
      }) : () -> ()
    }
    %scan3A_11 = arith.constant 78 : i32
    %add3A = arith.constant 19968 : i32
    %add3A_12 = arith.addi %mul3A_0, %add3A : i32
    "tpu.region"() ({
      %run_scoped3A = tpu.sem_alloc : memref<!tpu.dma_semaphore, #tpu.memory_space<semaphore_mem>>
      %dma_start3A_42 = tpu.memref_slice %arg3[%add3A_12] : memref<320000xi32, #tpu.memory_space<hbm>> -> memref<32xi32, #tpu.memory_space<hbm>>
      %dma_start3A_43 = tpu.memref_slice %arg3[%add3A_12] : memref<320000xi32, #tpu.memory_space<hbm>> -> memref<32xi32, #tpu.memory_space<hbm>>
      tpu.enqueue_dma source(%dma_start3A_43 : memref<32xi32, #tpu.memory_space<hbm>>) target(%arg10 : memref<32xi32, #tpu.memory_space<vmem>>) target_semaphore(%run_scoped3A : memref<!tpu.dma_semaphore, #tpu.memory_space<semaphore_mem>>)
      %dma_wait3A_44 = tpu.memref_slice %arg3[%add3A_12] : memref<320000xi32, #tpu.memory_space<hbm>> -> memref<32xi32, #tpu.memory_space<hbm>>
      %dma_wait3A_45 = tpu.memref_slice %arg3[%add3A_12] : memref<320000xi32, #tpu.memory_space<hbm>> -> memref<32xi32, #tpu.memory_space<hbm>>
      tpu.wait_dma2 semaphore(%run_scoped3A : memref<!tpu.dma_semaphore, #tpu.memory_space<semaphore_mem>>) src(%dma_wait3A_45 : memref<32xi32, #tpu.memory_space<hbm>>) dst(%arg10 : memref<32xi32, #tpu.memory_space<vmem>>)
      tpu.yield
    }) : () -> ()
    %dma_start3A = arith.constant 0 : i32
    %dma_start3A_13 = arith.constant 0 : i32
    %dma_start3A_14 = tpu.memref_slice %arg12[%dma_start3A, %dma_start3A_13] : memref<128x128xf32, #tpu.memory_space<vmem>> -> memref<32x128xf32, #tpu.memory_space<vmem>>
    %dma_start3A_15 = arith.constant 0 : i32
    %dma_start3A_16 = arith.constant 0 : i32
    %dma_start3A_17 = tpu.memref_slice %arg2[%arg0, %dma_start3A_15, %dma_start3A_16] : memref<2x10000x128xf32, #tpu.memory_space<hbm>> -> memref<1x10000x128xf32, #tpu.memory_space<hbm>>
    %dma_start3A_18 = tpu.memref_squeeze %dma_start3A_17 : memref<1x10000x128xf32, #tpu.memory_space<hbm>> -> memref<10000x128xf32, #tpu.memory_space<hbm>>
    %dma_start3A_19 = arith.constant 0 : i32
    %dma_start3A_20 = arith.constant 0 : i32
    %dma_start3A_21 = tpu.memref_slice %dma_start3A_18[%dma_start3A_19, %dma_start3A_20] : memref<10000x128xf32, #tpu.memory_space<hbm>> -> memref<10000x128xf32, #tpu.memory_space<hbm>>
    tpu.enqueue_indirect_dma source(%dma_start3A_21 : memref<10000x128xf32, #tpu.memory_space<hbm>>) target(%dma_start3A_14 : memref<32x128xf32, #tpu.memory_space<vmem>>) offsets(%arg10 : memref<32xi32, #tpu.memory_space<vmem>>) semaphore(%arg19 : memref<!tpu.dma_semaphore, #tpu.memory_space<semaphore_mem>>)
    %dma_wait3A = arith.constant 0 : i32
    %dma_wait3A_22 = arith.constant 0 : i32
    %dma_wait3A_23 = tpu.memref_slice %arg12[%dma_wait3A, %dma_wait3A_22] : memref<128x128xf32, #tpu.memory_space<vmem>> -> memref<32x128xf32, #tpu.memory_space<vmem>>
    %dma_wait3A_24 = arith.constant 0 : i32
    %dma_wait3A_25 = arith.constant 0 : i32
    %dma_wait3A_26 = tpu.memref_slice %arg2[%arg0, %dma_wait3A_24, %dma_wait3A_25] : memref<2x10000x128xf32, #tpu.memory_space<hbm>> -> memref<1x10000x128xf32, #tpu.memory_space<hbm>>
    %dma_wait3A_27 = tpu.memref_squeeze %dma_wait3A_26 : memref<1x10000x128xf32, #tpu.memory_space<hbm>> -> memref<10000x128xf32, #tpu.memory_space<hbm>>
    %dma_wait3A_28 = arith.constant 0 : i32
    %dma_wait3A_29 = arith.constant 0 : i32
    %dma_wait3A_30 = tpu.memref_slice %dma_wait3A_27[%dma_wait3A_28, %dma_wait3A_29] : memref<10000x128xf32, #tpu.memory_space<hbm>> -> memref<10000x128xf32, #tpu.memory_space<hbm>>
    tpu.wait_indirect_dma semaphore(%arg19 : memref<!tpu.dma_semaphore, #tpu.memory_space<semaphore_mem>>) src(%dma_wait3A_30 : memref<10000x128xf32, #tpu.memory_space<hbm>>) dst(%dma_wait3A_23 : memref<32x128xf32, #tpu.memory_space<vmem>>)
    "tpu.region"() ({
      %run_scoped3A = tpu.sem_alloc : memref<!tpu.dma_semaphore, #tpu.memory_space<semaphore_mem>>
      %dma_start3A_42 = tpu.memref_slice %arg4[%add3A_12] : memref<320000xi32, #tpu.memory_space<hbm>> -> memref<32xi32, #tpu.memory_space<hbm>>
      %dma_start3A_43 = tpu.memref_slice %arg4[%add3A_12] : memref<320000xi32, #tpu.memory_space<hbm>> -> memref<32xi32, #tpu.memory_space<hbm>>
      tpu.enqueue_dma source(%dma_start3A_43 : memref<32xi32, #tpu.memory_space<hbm>>) target(%arg11 : memref<32xi32, #tpu.memory_space<vmem>>) target_semaphore(%run_scoped3A : memref<!tpu.dma_semaphore, #tpu.memory_space<semaphore_mem>>)
      %dma_wait3A_44 = tpu.memref_slice %arg4[%add3A_12] : memref<320000xi32, #tpu.memory_space<hbm>> -> memref<32xi32, #tpu.memory_space<hbm>>
      %dma_wait3A_45 = tpu.memref_slice %arg4[%add3A_12] : memref<320000xi32, #tpu.memory_space<hbm>> -> memref<32xi32, #tpu.memory_space<hbm>>
      tpu.wait_dma2 semaphore(%run_scoped3A : memref<!tpu.dma_semaphore, #tpu.memory_space<semaphore_mem>>) src(%dma_wait3A_45 : memref<32xi32, #tpu.memory_space<hbm>>) dst(%arg11 : memref<32xi32, #tpu.memory_space<vmem>>)
      tpu.yield
    }) : () -> ()
    "tpu.region"() ({
      %run_scoped3A = tpu.sem_alloc : memref<!tpu.dma_semaphore, #tpu.memory_space<semaphore_mem>>
      %dma_start3A_42 = arith.constant 0 : i32
      %dma_start3A_43 = arith.constant 0 : i32
      %dma_start3A_44 = tpu.memref_slice %arg12[%dma_start3A_42, %dma_start3A_43] : memref<128x128xf32, #tpu.memory_space<vmem>> -> memref<32x128xf32, #tpu.memory_space<vmem>>
      %dma_start3A_45 = arith.constant 0 : i32
      %dma_start3A_46 = arith.constant 0 : i32
      %dma_start3A_47 = tpu.memref_slice %arg14[%dma_start3A_45, %dma_start3A_46] : memref<10000x128xf32, #tpu.memory_space<vmem_shared>> -> memref<10000x128xf32, #tpu.memory_space<vmem_shared>>
      tpu.enqueue_indirect_dma source(%dma_start3A_44 : memref<32x128xf32, #tpu.memory_space<vmem>>) target(%dma_start3A_47 : memref<10000x128xf32, #tpu.memory_space<vmem_shared>>) offsets(%arg11 : memref<32xi32, #tpu.memory_space<vmem>>) semaphore(%run_scoped3A : memref<!tpu.dma_semaphore, #tpu.memory_space<semaphore_mem>>) {add = true}
      %dma_wait3A_48 = arith.constant 0 : i32
      %dma_wait3A_49 = arith.constant 0 : i32
      %dma_wait3A_50 = tpu.memref_slice %arg12[%dma_wait3A_48, %dma_wait3A_49] : memref<128x128xf32, #tpu.memory_space<vmem>> -> memref<32x128xf32, #tpu.memory_space<vmem>>
      %dma_wait3A_51 = arith.constant 0 : i32
      %dma_wait3A_52 = arith.constant 0 : i32
      %dma_wait3A_53 = tpu.memref_slice %arg14[%dma_wait3A_51, %dma_wait3A_52] : memref<10000x128xf32, #tpu.memory_space<vmem_shared>> -> memref<10000x128xf32, #tpu.memory_space<vmem_shared>>
      tpu.wait_indirect_dma semaphore(%run_scoped3A : memref<!tpu.dma_semaphore, #tpu.memory_space<semaphore_mem>>) src(%dma_wait3A_50 : memref<32x128xf32, #tpu.memory_space<vmem>>) dst(%dma_wait3A_53 : memref<10000x128xf32, #tpu.memory_space<vmem_shared>>)
      tpu.yield
    }) : () -> ()
    %barrier3A_31 = arith.constant 0 : index
    tpu.barrier barrier_id(%barrier3A_31)
    %lt3A_32 = arith.constant 15 : i32
    %lt3A_33 = arith.cmpi slt, %arg1, %lt3A_32 : i32
    %convert_element_type3A_34 = arith.extui %lt3A_33 : i1 to i32
    %cond3A_35 = arith.constant 0 : i32
    %cond3A_36 = arith.cmpi ne, %convert_element_type3A_34, %cond3A_35 : i32
    scf.if %cond3A_36 {
      %mul3A_42 = arith.constant 624 : i32
      %mul3A_43 = arith.muli %arg1, %mul3A_42 : i32
      %mul3A_44 = arith.constant 624 : i32
      %mul3A_45 = arith.muli %arg1, %mul3A_44 : i32
      "tpu.region"() ({
        %run_scoped3A = tpu.sem_alloc : memref<!tpu.dma_semaphore, #tpu.memory_space<semaphore_mem>>
        %dma_start3A_46 = arith.constant 0 : i32
        %dma_start3A_47 = tpu.memref_slice %arg5[%arg0, %mul3A_45, %dma_start3A_46] : memref<2x10000x128xf32, #tpu.memory_space<hbm>> -> memref<1x624x128xf32, #tpu.memory_space<hbm>>
        %dma_start3A_48 = tpu.memref_squeeze %dma_start3A_47 : memref<1x624x128xf32, #tpu.memory_space<hbm>> -> memref<624x128xf32, #tpu.memory_space<hbm>>
        %dma_start3A_49 = arith.constant 0 : i32
        %dma_start3A_50 = tpu.memref_slice %arg14[%mul3A_43, %dma_start3A_49] : memref<10000x128xf32, #tpu.memory_space<vmem_shared>> -> memref<624x128xf32, #tpu.memory_space<vmem_shared>>
        tpu.enqueue_dma source(%dma_start3A_50 : memref<624x128xf32, #tpu.memory_space<vmem_shared>>) target(%dma_start3A_48 : memref<624x128xf32, #tpu.memory_space<hbm>>) target_semaphore(%run_scoped3A : memref<!tpu.dma_semaphore, #tpu.memory_space<semaphore_mem>>)
        %dma_wait3A_51 = arith.constant 0 : i32
        %dma_wait3A_52 = tpu.memref_slice %arg5[%arg0, %mul3A_45, %dma_wait3A_51] : memref<2x10000x128xf32, #tpu.memory_space<hbm>> -> memref<1x624x128xf32, #tpu.memory_space<hbm>>
        %dma_wait3A_53 = tpu.memref_squeeze %dma_wait3A_52 : memref<1x624x128xf32, #tpu.memory_space<hbm>> -> memref<624x128xf32, #tpu.memory_space<hbm>>
        %dma_wait3A_54 = arith.constant 0 : i32
        %dma_wait3A_55 = tpu.memref_slice %arg14[%mul3A_43, %dma_wait3A_54] : memref<10000x128xf32, #tpu.memory_space<vmem_shared>> -> memref<624x128xf32, #tpu.memory_space<vmem_shared>>
        tpu.wait_dma2 semaphore(%run_scoped3A : memref<!tpu.dma_semaphore, #tpu.memory_space<semaphore_mem>>) src(%dma_wait3A_55 : memref<624x128xf32, #tpu.memory_space<vmem_shared>>) dst(%dma_wait3A_53 : memref<624x128xf32, #tpu.memory_space<hbm>>)
        tpu.yield
      }) : () -> ()
    } else {
    }
    %eq3A_37 = arith.constant 15 : i32
    %eq3A_38 = arith.cmpi eq, %arg1, %eq3A_37 : i32
    %convert_element_type3A_39 = arith.extui %eq3A_38 : i1 to i32
    %cond3A_40 = arith.constant 0 : i32
    %cond3A_41 = arith.cmpi ne, %convert_element_type3A_39, %cond3A_40 : i32
    scf.if %cond3A_41 {
      "tpu.region"() ({
        %run_scoped3A = tpu.sem_alloc : memref<!tpu.dma_semaphore, #tpu.memory_space<semaphore_mem>>
        %dma_start3A_42 = arith.constant 9360 : i32
        %dma_start3A_43 = arith.constant 0 : i32
        %dma_start3A_44 = tpu.memref_slice %arg5[%arg0, %dma_start3A_42, %dma_start3A_43] : memref<2x10000x128xf32, #tpu.memory_space<hbm>> -> memref<1x640x128xf32, #tpu.memory_space<hbm>>
        %dma_start3A_45 = tpu.memref_squeeze %dma_start3A_44 : memref<1x640x128xf32, #tpu.memory_space<hbm>> -> memref<640x128xf32, #tpu.memory_space<hbm>>
        %dma_start3A_46 = arith.constant 9360 : i32
        %dma_start3A_47 = arith.constant 0 : i32
        %dma_start3A_48 = tpu.memref_slice %arg14[%dma_start3A_46, %dma_start3A_47] : memref<10000x128xf32, #tpu.memory_space<vmem_shared>> -> memref<640x128xf32, #tpu.memory_space<vmem_shared>>
        tpu.enqueue_dma source(%dma_start3A_48 : memref<640x128xf32, #tpu.memory_space<vmem_shared>>) target(%dma_start3A_45 : memref<640x128xf32, #tpu.memory_space<hbm>>) target_semaphore(%run_scoped3A : memref<!tpu.dma_semaphore, #tpu.memory_space<semaphore_mem>>)
        %dma_wait3A_49 = arith.constant 9360 : i32
        %dma_wait3A_50 = arith.constant 0 : i32
        %dma_wait3A_51 = tpu.memref_slice %arg5[%arg0, %dma_wait3A_49, %dma_wait3A_50] : memref<2x10000x128xf32, #tpu.memory_space<hbm>> -> memref<1x640x128xf32, #tpu.memory_space<hbm>>
        %dma_wait3A_52 = tpu.memref_squeeze %dma_wait3A_51 : memref<1x640x128xf32, #tpu.memory_space<hbm>> -> memref<640x128xf32, #tpu.memory_space<hbm>>
        %dma_wait3A_53 = arith.constant 9360 : i32
        %dma_wait3A_54 = arith.constant 0 : i32
        %dma_wait3A_55 = tpu.memref_slice %arg14[%dma_wait3A_53, %dma_wait3A_54] : memref<10000x128xf32, #tpu.memory_space<vmem_shared>> -> memref<640x128xf32, #tpu.memory_space<vmem_shared>>
        tpu.wait_dma2 semaphore(%run_scoped3A : memref<!tpu.dma_semaphore, #tpu.memory_space<semaphore_mem>>) src(%dma_wait3A_55 : memref<640x128xf32, #tpu.memory_space<vmem_shared>>) dst(%dma_wait3A_52 : memref<640x128xf32, #tpu.memory_space<hbm>>)
        tpu.yield
      }) : () -> ()
    } else {
    }
    return
  }
}

#map = affine_map<(d0, d1) -> (0, 0)>
#map1 = affine_map<(d0, d1) -> (0)>
#map2 = affine_map<(d0, d1) -> (0, 0, 0)>
module attributes {stable_mosaic.version = 14 : i64} {
  func.func @agg(%arg0: i32, %arg1: i32, %arg2: memref<10000x128xf32, #tpu.memory_space<hbm>>, %arg3: memref<320000xi32, #tpu.memory_space<hbm>>, %arg4: memref<320000xi32, #tpu.memory_space<hbm>>, %arg5: memref<2x10000x128xf32, #tpu.memory_space<hbm>>, %arg6: memref<128xi32, #tpu.memory_space<vmem>>, %arg7: memref<128xi32, #tpu.memory_space<vmem>>, %arg8: memref<128xi32, #tpu.memory_space<vmem>>, %arg9: memref<128xi32, #tpu.memory_space<vmem>>, %arg10: memref<16xi32, #tpu.memory_space<vmem>>, %arg11: memref<16xi32, #tpu.memory_space<vmem>>, %arg12: memref<128x128xf32, #tpu.memory_space<vmem>>, %arg13: memref<128x128xf32, #tpu.memory_space<vmem>>, %arg14: memref<10000x128xf32, #tpu.memory_space<vmem_shared>>, %arg15: memref<!tpu.dma_semaphore, #tpu.memory_space<semaphore_mem>>, %arg16: memref<!tpu.dma_semaphore, #tpu.memory_space<semaphore_mem>>, %arg17: memref<!tpu.dma_semaphore, #tpu.memory_space<semaphore_mem>>, %arg18: memref<!tpu.dma_semaphore, #tpu.memory_space<semaphore_mem>>, %arg19: memref<!tpu.dma_semaphore, #tpu.memory_space<semaphore_mem>>, %arg20: memref<!tpu.dma_semaphore, #tpu.memory_space<semaphore_mem>>) attributes {dimension_semantics = [#tpu.dimension_semantics<core_parallel>, #tpu.dimension_semantics<subcore_parallel>], iteration_bounds = array<i64: 2, 16>, scalar_prefetch = 0 : i64, scratch_operands = 15 : i64, tpu.core_type = #tpu.core_type<sc_vector_subcore>, window_params = [{transform_indices = #map}, {transform_indices = #map1}, {transform_indices = #map1}, {transform_indices = #map2}]} {
    %mul3A = arith.constant 16 : i32
    %mul3A_0 = arith.muli %arg0, %mul3A : i32
    %add3A = arith.addi %mul3A_0, %arg1 : i32
    %mul3A_1 = arith.constant 10000 : i32
    %mul3A_2 = arith.muli %add3A, %mul3A_1 : i32
    %lt3A = arith.constant 15 : i32
    %lt3A_3 = arith.cmpi slt, %arg1, %lt3A : i32
    %convert_element_type3A = arith.extui %lt3A_3 : i1 to i32
    %cond3A = arith.constant 0 : i32
    %cond3A_4 = arith.cmpi ne, %convert_element_type3A, %cond3A : i32
    scf.if %cond3A_4 {
      %mul3A_37 = arith.constant 624 : i32
      %mul3A_38 = arith.muli %arg1, %mul3A_37 : i32
      %mul3A_39 = arith.constant 624 : i32
      %mul3A_40 = arith.muli %arg1, %mul3A_39 : i32
      "tpu.region"() ({
        %run_scoped3A = tpu.sem_alloc : memref<!tpu.dma_semaphore, #tpu.memory_space<semaphore_mem>>
        %dma_start3A_41 = arith.constant 0 : i32
        %dma_start3A_42 = tpu.memref_slice %arg14[%mul3A_40, %dma_start3A_41] : memref<10000x128xf32, #tpu.memory_space<vmem_shared>> -> memref<624x128xf32, #tpu.memory_space<vmem_shared>>
        %dma_start3A_43 = arith.constant 0 : i32
        %dma_start3A_44 = tpu.memref_slice %arg2[%mul3A_38, %dma_start3A_43] : memref<10000x128xf32, #tpu.memory_space<hbm>> -> memref<624x128xf32, #tpu.memory_space<hbm>>
        tpu.enqueue_dma source(%dma_start3A_44 : memref<624x128xf32, #tpu.memory_space<hbm>>) target(%dma_start3A_42 : memref<624x128xf32, #tpu.memory_space<vmem_shared>>) target_semaphore(%run_scoped3A : memref<!tpu.dma_semaphore, #tpu.memory_space<semaphore_mem>>)
        %dma_wait3A_45 = arith.constant 0 : i32
        %dma_wait3A_46 = tpu.memref_slice %arg14[%mul3A_40, %dma_wait3A_45] : memref<10000x128xf32, #tpu.memory_space<vmem_shared>> -> memref<624x128xf32, #tpu.memory_space<vmem_shared>>
        %dma_wait3A_47 = arith.constant 0 : i32
        %dma_wait3A_48 = tpu.memref_slice %arg2[%mul3A_38, %dma_wait3A_47] : memref<10000x128xf32, #tpu.memory_space<hbm>> -> memref<624x128xf32, #tpu.memory_space<hbm>>
        tpu.wait_dma2 semaphore(%run_scoped3A : memref<!tpu.dma_semaphore, #tpu.memory_space<semaphore_mem>>) src(%dma_wait3A_48 : memref<624x128xf32, #tpu.memory_space<hbm>>) dst(%dma_wait3A_46 : memref<624x128xf32, #tpu.memory_space<vmem_shared>>)
        tpu.yield
      }) : () -> ()
    } else {
    }
    %eq3A = arith.constant 15 : i32
    %eq3A_5 = arith.cmpi eq, %arg1, %eq3A : i32
    %convert_element_type3A_6 = arith.extui %eq3A_5 : i1 to i32
    %cond3A_7 = arith.constant 0 : i32
    %cond3A_8 = arith.cmpi ne, %convert_element_type3A_6, %cond3A_7 : i32
    scf.if %cond3A_8 {
      "tpu.region"() ({
        %run_scoped3A = tpu.sem_alloc : memref<!tpu.dma_semaphore, #tpu.memory_space<semaphore_mem>>
        %dma_start3A_37 = arith.constant 9360 : i32
        %dma_start3A_38 = arith.constant 0 : i32
        %dma_start3A_39 = tpu.memref_slice %arg14[%dma_start3A_37, %dma_start3A_38] : memref<10000x128xf32, #tpu.memory_space<vmem_shared>> -> memref<640x128xf32, #tpu.memory_space<vmem_shared>>
        %dma_start3A_40 = arith.constant 9360 : i32
        %dma_start3A_41 = arith.constant 0 : i32
        %dma_start3A_42 = tpu.memref_slice %arg2[%dma_start3A_40, %dma_start3A_41] : memref<10000x128xf32, #tpu.memory_space<hbm>> -> memref<640x128xf32, #tpu.memory_space<hbm>>
        tpu.enqueue_dma source(%dma_start3A_42 : memref<640x128xf32, #tpu.memory_space<hbm>>) target(%dma_start3A_39 : memref<640x128xf32, #tpu.memory_space<vmem_shared>>) target_semaphore(%run_scoped3A : memref<!tpu.dma_semaphore, #tpu.memory_space<semaphore_mem>>)
        %dma_wait3A_43 = arith.constant 9360 : i32
        %dma_wait3A_44 = arith.constant 0 : i32
        %dma_wait3A_45 = tpu.memref_slice %arg14[%dma_wait3A_43, %dma_wait3A_44] : memref<10000x128xf32, #tpu.memory_space<vmem_shared>> -> memref<640x128xf32, #tpu.memory_space<vmem_shared>>
        %dma_wait3A_46 = arith.constant 9360 : i32
        %dma_wait3A_47 = arith.constant 0 : i32
        %dma_wait3A_48 = tpu.memref_slice %arg2[%dma_wait3A_46, %dma_wait3A_47] : memref<10000x128xf32, #tpu.memory_space<hbm>> -> memref<640x128xf32, #tpu.memory_space<hbm>>
        tpu.wait_dma2 semaphore(%run_scoped3A : memref<!tpu.dma_semaphore, #tpu.memory_space<semaphore_mem>>) src(%dma_wait3A_48 : memref<640x128xf32, #tpu.memory_space<hbm>>) dst(%dma_wait3A_45 : memref<640x128xf32, #tpu.memory_space<vmem_shared>>)
        tpu.yield
      }) : () -> ()
    } else {
    }
    %barrier3A = arith.constant 0 : index
    tpu.barrier barrier_id(%barrier3A)
    %scan3A = arith.constant 0 : i32
    %scan3A_9 = arith.constant 0 : i32
    %scan3A_10 = arith.constant 39 : i32
    %scan3A_11 = arith.addi %scan3A_9, %scan3A_10 : i32
    %scan3A_12 = arith.constant 1 : i32
    scf.for %scan3A_37 = %scan3A_9 to %scan3A_11 step %scan3A_12  : i32 {
      %mul3A_38 = arith.constant 2 : i32
      %mul3A_39 = arith.muli %mul3A_38, %scan3A_37 : i32
      %mul3A_40 = arith.constant 128 : i32
      %mul3A_41 = arith.muli %mul3A_39, %mul3A_40 : i32
      %add3A_42 = arith.addi %mul3A_2, %mul3A_41 : i32
      %dma_start3A_43 = tpu.memref_slice %arg3[%add3A_42] : memref<320000xi32, #tpu.memory_space<hbm>> -> memref<128xi32, #tpu.memory_space<hbm>>
      %dma_start3A_44 = tpu.memref_slice %arg3[%add3A_42] : memref<320000xi32, #tpu.memory_space<hbm>> -> memref<128xi32, #tpu.memory_space<hbm>>
      tpu.enqueue_dma source(%dma_start3A_44 : memref<128xi32, #tpu.memory_space<hbm>>) target(%arg6 : memref<128xi32, #tpu.memory_space<vmem>>) target_semaphore(%arg15 : memref<!tpu.dma_semaphore, #tpu.memory_space<semaphore_mem>>)
      %dma_start3A_45 = tpu.memref_slice %arg4[%add3A_42] : memref<320000xi32, #tpu.memory_space<hbm>> -> memref<128xi32, #tpu.memory_space<hbm>>
      %dma_start3A_46 = tpu.memref_slice %arg4[%add3A_42] : memref<320000xi32, #tpu.memory_space<hbm>> -> memref<128xi32, #tpu.memory_space<hbm>>
      tpu.enqueue_dma source(%dma_start3A_46 : memref<128xi32, #tpu.memory_space<hbm>>) target(%arg8 : memref<128xi32, #tpu.memory_space<vmem>>) target_semaphore(%arg17 : memref<!tpu.dma_semaphore, #tpu.memory_space<semaphore_mem>>)
      %add3A_47 = arith.constant 128 : i32
      %add3A_48 = arith.addi %add3A_42, %add3A_47 : i32
      %dma_start3A_49 = tpu.memref_slice %arg3[%add3A_48] : memref<320000xi32, #tpu.memory_space<hbm>> -> memref<128xi32, #tpu.memory_space<hbm>>
      %dma_start3A_50 = tpu.memref_slice %arg3[%add3A_48] : memref<320000xi32, #tpu.memory_space<hbm>> -> memref<128xi32, #tpu.memory_space<hbm>>
      tpu.enqueue_dma source(%dma_start3A_50 : memref<128xi32, #tpu.memory_space<hbm>>) target(%arg7 : memref<128xi32, #tpu.memory_space<vmem>>) target_semaphore(%arg16 : memref<!tpu.dma_semaphore, #tpu.memory_space<semaphore_mem>>)
      %add3A_51 = arith.constant 128 : i32
      %add3A_52 = arith.addi %add3A_42, %add3A_51 : i32
      %dma_start3A_53 = tpu.memref_slice %arg4[%add3A_52] : memref<320000xi32, #tpu.memory_space<hbm>> -> memref<128xi32, #tpu.memory_space<hbm>>
      %dma_start3A_54 = tpu.memref_slice %arg4[%add3A_52] : memref<320000xi32, #tpu.memory_space<hbm>> -> memref<128xi32, #tpu.memory_space<hbm>>
      tpu.enqueue_dma source(%dma_start3A_54 : memref<128xi32, #tpu.memory_space<hbm>>) target(%arg9 : memref<128xi32, #tpu.memory_space<vmem>>) target_semaphore(%arg18 : memref<!tpu.dma_semaphore, #tpu.memory_space<semaphore_mem>>)
      %dma_wait3A_55 = tpu.memref_slice %arg3[%add3A_42] : memref<320000xi32, #tpu.memory_space<hbm>> -> memref<128xi32, #tpu.memory_space<hbm>>
      %dma_wait3A_56 = tpu.memref_slice %arg3[%add3A_42] : memref<320000xi32, #tpu.memory_space<hbm>> -> memref<128xi32, #tpu.memory_space<hbm>>
      tpu.wait_dma2 semaphore(%arg15 : memref<!tpu.dma_semaphore, #tpu.memory_space<semaphore_mem>>) src(%dma_wait3A_56 : memref<128xi32, #tpu.memory_space<hbm>>) dst(%arg6 : memref<128xi32, #tpu.memory_space<vmem>>)
      %dma_start3A_57 = arith.constant 0 : i32
      %dma_start3A_58 = arith.constant 0 : i32
      %dma_start3A_59 = tpu.memref_slice %arg2[%dma_start3A_57, %dma_start3A_58] : memref<10000x128xf32, #tpu.memory_space<hbm>> -> memref<10000x128xf32, #tpu.memory_space<hbm>>
      tpu.enqueue_indirect_dma source(%dma_start3A_59 : memref<10000x128xf32, #tpu.memory_space<hbm>>) target(%arg12 : memref<128x128xf32, #tpu.memory_space<vmem>>) offsets(%arg6 : memref<128xi32, #tpu.memory_space<vmem>>) semaphore(%arg19 : memref<!tpu.dma_semaphore, #tpu.memory_space<semaphore_mem>>)
      %dma_wait3A_60 = tpu.memref_slice %arg3[%add3A_48] : memref<320000xi32, #tpu.memory_space<hbm>> -> memref<128xi32, #tpu.memory_space<hbm>>
      %dma_wait3A_61 = tpu.memref_slice %arg3[%add3A_48] : memref<320000xi32, #tpu.memory_space<hbm>> -> memref<128xi32, #tpu.memory_space<hbm>>
      tpu.wait_dma2 semaphore(%arg16 : memref<!tpu.dma_semaphore, #tpu.memory_space<semaphore_mem>>) src(%dma_wait3A_61 : memref<128xi32, #tpu.memory_space<hbm>>) dst(%arg7 : memref<128xi32, #tpu.memory_space<vmem>>)
      %dma_start3A_62 = arith.constant 0 : i32
      %dma_start3A_63 = arith.constant 0 : i32
      %dma_start3A_64 = tpu.memref_slice %arg2[%dma_start3A_62, %dma_start3A_63] : memref<10000x128xf32, #tpu.memory_space<hbm>> -> memref<10000x128xf32, #tpu.memory_space<hbm>>
      tpu.enqueue_indirect_dma source(%dma_start3A_64 : memref<10000x128xf32, #tpu.memory_space<hbm>>) target(%arg13 : memref<128x128xf32, #tpu.memory_space<vmem>>) offsets(%arg7 : memref<128xi32, #tpu.memory_space<vmem>>) semaphore(%arg20 : memref<!tpu.dma_semaphore, #tpu.memory_space<semaphore_mem>>)
      %dma_wait3A_65 = arith.constant 0 : i32
      %dma_wait3A_66 = arith.constant 0 : i32
      %dma_wait3A_67 = tpu.memref_slice %arg2[%dma_wait3A_65, %dma_wait3A_66] : memref<10000x128xf32, #tpu.memory_space<hbm>> -> memref<10000x128xf32, #tpu.memory_space<hbm>>
      tpu.wait_indirect_dma semaphore(%arg19 : memref<!tpu.dma_semaphore, #tpu.memory_space<semaphore_mem>>) src(%dma_wait3A_67 : memref<10000x128xf32, #tpu.memory_space<hbm>>) dst(%arg12 : memref<128x128xf32, #tpu.memory_space<vmem>>)
      %dma_wait3A_68 = tpu.memref_slice %arg4[%add3A_42] : memref<320000xi32, #tpu.memory_space<hbm>> -> memref<128xi32, #tpu.memory_space<hbm>>
      %dma_wait3A_69 = tpu.memref_slice %arg4[%add3A_42] : memref<320000xi32, #tpu.memory_space<hbm>> -> memref<128xi32, #tpu.memory_space<hbm>>
      tpu.wait_dma2 semaphore(%arg17 : memref<!tpu.dma_semaphore, #tpu.memory_space<semaphore_mem>>) src(%dma_wait3A_69 : memref<128xi32, #tpu.memory_space<hbm>>) dst(%arg8 : memref<128xi32, #tpu.memory_space<vmem>>)
      "tpu.region"() ({
        %run_scoped3A = tpu.sem_alloc : memref<!tpu.dma_semaphore, #tpu.memory_space<semaphore_mem>>
        %dma_start3A_75 = arith.constant 0 : i32
        %dma_start3A_76 = arith.constant 0 : i32
        %dma_start3A_77 = tpu.memref_slice %arg14[%dma_start3A_75, %dma_start3A_76] : memref<10000x128xf32, #tpu.memory_space<vmem_shared>> -> memref<10000x128xf32, #tpu.memory_space<vmem_shared>>
        tpu.enqueue_indirect_dma source(%arg12 : memref<128x128xf32, #tpu.memory_space<vmem>>) target(%dma_start3A_77 : memref<10000x128xf32, #tpu.memory_space<vmem_shared>>) offsets(%arg8 : memref<128xi32, #tpu.memory_space<vmem>>) semaphore(%run_scoped3A : memref<!tpu.dma_semaphore, #tpu.memory_space<semaphore_mem>>) {add = true}
        %dma_wait3A_78 = arith.constant 0 : i32
        %dma_wait3A_79 = arith.constant 0 : i32
        %dma_wait3A_80 = tpu.memref_slice %arg14[%dma_wait3A_78, %dma_wait3A_79] : memref<10000x128xf32, #tpu.memory_space<vmem_shared>> -> memref<10000x128xf32, #tpu.memory_space<vmem_shared>>
        tpu.wait_indirect_dma semaphore(%run_scoped3A : memref<!tpu.dma_semaphore, #tpu.memory_space<semaphore_mem>>) src(%arg12 : memref<128x128xf32, #tpu.memory_space<vmem>>) dst(%dma_wait3A_80 : memref<10000x128xf32, #tpu.memory_space<vmem_shared>>)
        tpu.yield
      }) : () -> ()
      %dma_wait3A_70 = arith.constant 0 : i32
      %dma_wait3A_71 = arith.constant 0 : i32
      %dma_wait3A_72 = tpu.memref_slice %arg2[%dma_wait3A_70, %dma_wait3A_71] : memref<10000x128xf32, #tpu.memory_space<hbm>> -> memref<10000x128xf32, #tpu.memory_space<hbm>>
      tpu.wait_indirect_dma semaphore(%arg20 : memref<!tpu.dma_semaphore, #tpu.memory_space<semaphore_mem>>) src(%dma_wait3A_72 : memref<10000x128xf32, #tpu.memory_space<hbm>>) dst(%arg13 : memref<128x128xf32, #tpu.memory_space<vmem>>)
      %dma_wait3A_73 = tpu.memref_slice %arg4[%add3A_52] : memref<320000xi32, #tpu.memory_space<hbm>> -> memref<128xi32, #tpu.memory_space<hbm>>
      %dma_wait3A_74 = tpu.memref_slice %arg4[%add3A_52] : memref<320000xi32, #tpu.memory_space<hbm>> -> memref<128xi32, #tpu.memory_space<hbm>>
      tpu.wait_dma2 semaphore(%arg18 : memref<!tpu.dma_semaphore, #tpu.memory_space<semaphore_mem>>) src(%dma_wait3A_74 : memref<128xi32, #tpu.memory_space<hbm>>) dst(%arg9 : memref<128xi32, #tpu.memory_space<vmem>>)
      "tpu.region"() ({
        %run_scoped3A = tpu.sem_alloc : memref<!tpu.dma_semaphore, #tpu.memory_space<semaphore_mem>>
        %dma_start3A_75 = arith.constant 0 : i32
        %dma_start3A_76 = arith.constant 0 : i32
        %dma_start3A_77 = tpu.memref_slice %arg14[%dma_start3A_75, %dma_start3A_76] : memref<10000x128xf32, #tpu.memory_space<vmem_shared>> -> memref<10000x128xf32, #tpu.memory_space<vmem_shared>>
        tpu.enqueue_indirect_dma source(%arg13 : memref<128x128xf32, #tpu.memory_space<vmem>>) target(%dma_start3A_77 : memref<10000x128xf32, #tpu.memory_space<vmem_shared>>) offsets(%arg9 : memref<128xi32, #tpu.memory_space<vmem>>) semaphore(%run_scoped3A : memref<!tpu.dma_semaphore, #tpu.memory_space<semaphore_mem>>) {add = true}
        %dma_wait3A_78 = arith.constant 0 : i32
        %dma_wait3A_79 = arith.constant 0 : i32
        %dma_wait3A_80 = tpu.memref_slice %arg14[%dma_wait3A_78, %dma_wait3A_79] : memref<10000x128xf32, #tpu.memory_space<vmem_shared>> -> memref<10000x128xf32, #tpu.memory_space<vmem_shared>>
        tpu.wait_indirect_dma semaphore(%run_scoped3A : memref<!tpu.dma_semaphore, #tpu.memory_space<semaphore_mem>>) src(%arg13 : memref<128x128xf32, #tpu.memory_space<vmem>>) dst(%dma_wait3A_80 : memref<10000x128xf32, #tpu.memory_space<vmem_shared>>)
        tpu.yield
      }) : () -> ()
    }
    %scan3A_13 = arith.constant 39 : i32
    %add3A_14 = arith.constant 9984 : i32
    %add3A_15 = arith.addi %mul3A_2, %add3A_14 : i32
    "tpu.region"() ({
      %run_scoped3A = tpu.sem_alloc : memref<!tpu.dma_semaphore, #tpu.memory_space<semaphore_mem>>
      %dma_start3A_37 = tpu.memref_slice %arg3[%add3A_15] : memref<320000xi32, #tpu.memory_space<hbm>> -> memref<16xi32, #tpu.memory_space<hbm>>
      %dma_start3A_38 = tpu.memref_slice %arg3[%add3A_15] : memref<320000xi32, #tpu.memory_space<hbm>> -> memref<16xi32, #tpu.memory_space<hbm>>
      tpu.enqueue_dma source(%dma_start3A_38 : memref<16xi32, #tpu.memory_space<hbm>>) target(%arg10 : memref<16xi32, #tpu.memory_space<vmem>>) target_semaphore(%run_scoped3A : memref<!tpu.dma_semaphore, #tpu.memory_space<semaphore_mem>>)
      %dma_wait3A_39 = tpu.memref_slice %arg3[%add3A_15] : memref<320000xi32, #tpu.memory_space<hbm>> -> memref<16xi32, #tpu.memory_space<hbm>>
      %dma_wait3A_40 = tpu.memref_slice %arg3[%add3A_15] : memref<320000xi32, #tpu.memory_space<hbm>> -> memref<16xi32, #tpu.memory_space<hbm>>
      tpu.wait_dma2 semaphore(%run_scoped3A : memref<!tpu.dma_semaphore, #tpu.memory_space<semaphore_mem>>) src(%dma_wait3A_40 : memref<16xi32, #tpu.memory_space<hbm>>) dst(%arg10 : memref<16xi32, #tpu.memory_space<vmem>>)
      tpu.yield
    }) : () -> ()
    %dma_start3A = arith.constant 0 : i32
    %dma_start3A_16 = arith.constant 0 : i32
    %dma_start3A_17 = tpu.memref_slice %arg12[%dma_start3A, %dma_start3A_16] : memref<128x128xf32, #tpu.memory_space<vmem>> -> memref<16x128xf32, #tpu.memory_space<vmem>>
    %dma_start3A_18 = arith.constant 0 : i32
    %dma_start3A_19 = arith.constant 0 : i32
    %dma_start3A_20 = tpu.memref_slice %arg2[%dma_start3A_18, %dma_start3A_19] : memref<10000x128xf32, #tpu.memory_space<hbm>> -> memref<10000x128xf32, #tpu.memory_space<hbm>>
    tpu.enqueue_indirect_dma source(%dma_start3A_20 : memref<10000x128xf32, #tpu.memory_space<hbm>>) target(%dma_start3A_17 : memref<16x128xf32, #tpu.memory_space<vmem>>) offsets(%arg10 : memref<16xi32, #tpu.memory_space<vmem>>) semaphore(%arg19 : memref<!tpu.dma_semaphore, #tpu.memory_space<semaphore_mem>>)
    %dma_wait3A = arith.constant 0 : i32
    %dma_wait3A_21 = arith.constant 0 : i32
    %dma_wait3A_22 = tpu.memref_slice %arg12[%dma_wait3A, %dma_wait3A_21] : memref<128x128xf32, #tpu.memory_space<vmem>> -> memref<16x128xf32, #tpu.memory_space<vmem>>
    %dma_wait3A_23 = arith.constant 0 : i32
    %dma_wait3A_24 = arith.constant 0 : i32
    %dma_wait3A_25 = tpu.memref_slice %arg2[%dma_wait3A_23, %dma_wait3A_24] : memref<10000x128xf32, #tpu.memory_space<hbm>> -> memref<10000x128xf32, #tpu.memory_space<hbm>>
    tpu.wait_indirect_dma semaphore(%arg19 : memref<!tpu.dma_semaphore, #tpu.memory_space<semaphore_mem>>) src(%dma_wait3A_25 : memref<10000x128xf32, #tpu.memory_space<hbm>>) dst(%dma_wait3A_22 : memref<16x128xf32, #tpu.memory_space<vmem>>)
    "tpu.region"() ({
      %run_scoped3A = tpu.sem_alloc : memref<!tpu.dma_semaphore, #tpu.memory_space<semaphore_mem>>
      %dma_start3A_37 = tpu.memref_slice %arg4[%add3A_15] : memref<320000xi32, #tpu.memory_space<hbm>> -> memref<16xi32, #tpu.memory_space<hbm>>
      %dma_start3A_38 = tpu.memref_slice %arg4[%add3A_15] : memref<320000xi32, #tpu.memory_space<hbm>> -> memref<16xi32, #tpu.memory_space<hbm>>
      tpu.enqueue_dma source(%dma_start3A_38 : memref<16xi32, #tpu.memory_space<hbm>>) target(%arg11 : memref<16xi32, #tpu.memory_space<vmem>>) target_semaphore(%run_scoped3A : memref<!tpu.dma_semaphore, #tpu.memory_space<semaphore_mem>>)
      %dma_wait3A_39 = tpu.memref_slice %arg4[%add3A_15] : memref<320000xi32, #tpu.memory_space<hbm>> -> memref<16xi32, #tpu.memory_space<hbm>>
      %dma_wait3A_40 = tpu.memref_slice %arg4[%add3A_15] : memref<320000xi32, #tpu.memory_space<hbm>> -> memref<16xi32, #tpu.memory_space<hbm>>
      tpu.wait_dma2 semaphore(%run_scoped3A : memref<!tpu.dma_semaphore, #tpu.memory_space<semaphore_mem>>) src(%dma_wait3A_40 : memref<16xi32, #tpu.memory_space<hbm>>) dst(%arg11 : memref<16xi32, #tpu.memory_space<vmem>>)
      tpu.yield
    }) : () -> ()
    "tpu.region"() ({
      %run_scoped3A = tpu.sem_alloc : memref<!tpu.dma_semaphore, #tpu.memory_space<semaphore_mem>>
      %dma_start3A_37 = arith.constant 0 : i32
      %dma_start3A_38 = arith.constant 0 : i32
      %dma_start3A_39 = tpu.memref_slice %arg12[%dma_start3A_37, %dma_start3A_38] : memref<128x128xf32, #tpu.memory_space<vmem>> -> memref<16x128xf32, #tpu.memory_space<vmem>>
      %dma_start3A_40 = arith.constant 0 : i32
      %dma_start3A_41 = arith.constant 0 : i32
      %dma_start3A_42 = tpu.memref_slice %arg14[%dma_start3A_40, %dma_start3A_41] : memref<10000x128xf32, #tpu.memory_space<vmem_shared>> -> memref<10000x128xf32, #tpu.memory_space<vmem_shared>>
      tpu.enqueue_indirect_dma source(%dma_start3A_39 : memref<16x128xf32, #tpu.memory_space<vmem>>) target(%dma_start3A_42 : memref<10000x128xf32, #tpu.memory_space<vmem_shared>>) offsets(%arg11 : memref<16xi32, #tpu.memory_space<vmem>>) semaphore(%run_scoped3A : memref<!tpu.dma_semaphore, #tpu.memory_space<semaphore_mem>>) {add = true}
      %dma_wait3A_43 = arith.constant 0 : i32
      %dma_wait3A_44 = arith.constant 0 : i32
      %dma_wait3A_45 = tpu.memref_slice %arg12[%dma_wait3A_43, %dma_wait3A_44] : memref<128x128xf32, #tpu.memory_space<vmem>> -> memref<16x128xf32, #tpu.memory_space<vmem>>
      %dma_wait3A_46 = arith.constant 0 : i32
      %dma_wait3A_47 = arith.constant 0 : i32
      %dma_wait3A_48 = tpu.memref_slice %arg14[%dma_wait3A_46, %dma_wait3A_47] : memref<10000x128xf32, #tpu.memory_space<vmem_shared>> -> memref<10000x128xf32, #tpu.memory_space<vmem_shared>>
      tpu.wait_indirect_dma semaphore(%run_scoped3A : memref<!tpu.dma_semaphore, #tpu.memory_space<semaphore_mem>>) src(%dma_wait3A_45 : memref<16x128xf32, #tpu.memory_space<vmem>>) dst(%dma_wait3A_48 : memref<10000x128xf32, #tpu.memory_space<vmem_shared>>)
      tpu.yield
    }) : () -> ()
    %barrier3A_26 = arith.constant 0 : index
    tpu.barrier barrier_id(%barrier3A_26)
    %lt3A_27 = arith.constant 15 : i32
    %lt3A_28 = arith.cmpi slt, %arg1, %lt3A_27 : i32
    %convert_element_type3A_29 = arith.extui %lt3A_28 : i1 to i32
    %cond3A_30 = arith.constant 0 : i32
    %cond3A_31 = arith.cmpi ne, %convert_element_type3A_29, %cond3A_30 : i32
    scf.if %cond3A_31 {
      %mul3A_37 = arith.constant 624 : i32
      %mul3A_38 = arith.muli %arg1, %mul3A_37 : i32
      %mul3A_39 = arith.constant 624 : i32
      %mul3A_40 = arith.muli %arg1, %mul3A_39 : i32
      "tpu.region"() ({
        %run_scoped3A = tpu.sem_alloc : memref<!tpu.dma_semaphore, #tpu.memory_space<semaphore_mem>>
        %dma_start3A_41 = arith.constant 0 : i32
        %dma_start3A_42 = tpu.memref_slice %arg5[%arg0, %mul3A_40, %dma_start3A_41] : memref<2x10000x128xf32, #tpu.memory_space<hbm>> -> memref<1x624x128xf32, #tpu.memory_space<hbm>>
        %dma_start3A_43 = tpu.memref_squeeze %dma_start3A_42 : memref<1x624x128xf32, #tpu.memory_space<hbm>> -> memref<624x128xf32, #tpu.memory_space<hbm>>
        %dma_start3A_44 = arith.constant 0 : i32
        %dma_start3A_45 = tpu.memref_slice %arg14[%mul3A_38, %dma_start3A_44] : memref<10000x128xf32, #tpu.memory_space<vmem_shared>> -> memref<624x128xf32, #tpu.memory_space<vmem_shared>>
        tpu.enqueue_dma source(%dma_start3A_45 : memref<624x128xf32, #tpu.memory_space<vmem_shared>>) target(%dma_start3A_43 : memref<624x128xf32, #tpu.memory_space<hbm>>) target_semaphore(%run_scoped3A : memref<!tpu.dma_semaphore, #tpu.memory_space<semaphore_mem>>)
        %dma_wait3A_46 = arith.constant 0 : i32
        %dma_wait3A_47 = tpu.memref_slice %arg5[%arg0, %mul3A_40, %dma_wait3A_46] : memref<2x10000x128xf32, #tpu.memory_space<hbm>> -> memref<1x624x128xf32, #tpu.memory_space<hbm>>
        %dma_wait3A_48 = tpu.memref_squeeze %dma_wait3A_47 : memref<1x624x128xf32, #tpu.memory_space<hbm>> -> memref<624x128xf32, #tpu.memory_space<hbm>>
        %dma_wait3A_49 = arith.constant 0 : i32
        %dma_wait3A_50 = tpu.memref_slice %arg14[%mul3A_38, %dma_wait3A_49] : memref<10000x128xf32, #tpu.memory_space<vmem_shared>> -> memref<624x128xf32, #tpu.memory_space<vmem_shared>>
        tpu.wait_dma2 semaphore(%run_scoped3A : memref<!tpu.dma_semaphore, #tpu.memory_space<semaphore_mem>>) src(%dma_wait3A_50 : memref<624x128xf32, #tpu.memory_space<vmem_shared>>) dst(%dma_wait3A_48 : memref<624x128xf32, #tpu.memory_space<hbm>>)
        tpu.yield
      }) : () -> ()
    } else {
    }
    %eq3A_32 = arith.constant 15 : i32
    %eq3A_33 = arith.cmpi eq, %arg1, %eq3A_32 : i32
    %convert_element_type3A_34 = arith.extui %eq3A_33 : i1 to i32
    %cond3A_35 = arith.constant 0 : i32
    %cond3A_36 = arith.cmpi ne, %convert_element_type3A_34, %cond3A_35 : i32
    scf.if %cond3A_36 {
      "tpu.region"() ({
        %run_scoped3A = tpu.sem_alloc : memref<!tpu.dma_semaphore, #tpu.memory_space<semaphore_mem>>
        %dma_start3A_37 = arith.constant 9360 : i32
        %dma_start3A_38 = arith.constant 0 : i32
        %dma_start3A_39 = tpu.memref_slice %arg5[%arg0, %dma_start3A_37, %dma_start3A_38] : memref<2x10000x128xf32, #tpu.memory_space<hbm>> -> memref<1x640x128xf32, #tpu.memory_space<hbm>>
        %dma_start3A_40 = tpu.memref_squeeze %dma_start3A_39 : memref<1x640x128xf32, #tpu.memory_space<hbm>> -> memref<640x128xf32, #tpu.memory_space<hbm>>
        %dma_start3A_41 = arith.constant 9360 : i32
        %dma_start3A_42 = arith.constant 0 : i32
        %dma_start3A_43 = tpu.memref_slice %arg14[%dma_start3A_41, %dma_start3A_42] : memref<10000x128xf32, #tpu.memory_space<vmem_shared>> -> memref<640x128xf32, #tpu.memory_space<vmem_shared>>
        tpu.enqueue_dma source(%dma_start3A_43 : memref<640x128xf32, #tpu.memory_space<vmem_shared>>) target(%dma_start3A_40 : memref<640x128xf32, #tpu.memory_space<hbm>>) target_semaphore(%run_scoped3A : memref<!tpu.dma_semaphore, #tpu.memory_space<semaphore_mem>>)
        %dma_wait3A_44 = arith.constant 9360 : i32
        %dma_wait3A_45 = arith.constant 0 : i32
        %dma_wait3A_46 = tpu.memref_slice %arg5[%arg0, %dma_wait3A_44, %dma_wait3A_45] : memref<2x10000x128xf32, #tpu.memory_space<hbm>> -> memref<1x640x128xf32, #tpu.memory_space<hbm>>
        %dma_wait3A_47 = tpu.memref_squeeze %dma_wait3A_46 : memref<1x640x128xf32, #tpu.memory_space<hbm>> -> memref<640x128xf32, #tpu.memory_space<hbm>>
        %dma_wait3A_48 = arith.constant 9360 : i32
        %dma_wait3A_49 = arith.constant 0 : i32
        %dma_wait3A_50 = tpu.memref_slice %arg14[%dma_wait3A_48, %dma_wait3A_49] : memref<10000x128xf32, #tpu.memory_space<vmem_shared>> -> memref<640x128xf32, #tpu.memory_space<vmem_shared>>
        tpu.wait_dma2 semaphore(%run_scoped3A : memref<!tpu.dma_semaphore, #tpu.memory_space<semaphore_mem>>) src(%dma_wait3A_50 : memref<640x128xf32, #tpu.memory_space<vmem_shared>>) dst(%dma_wait3A_47 : memref<640x128xf32, #tpu.memory_space<hbm>>)
        tpu.yield
      }) : () -> ()
    } else {
    }
    return
  }
}

module attributes {stable_mosaic.version = 14 : i64} {
  func.func @_t1_body(%arg0: i32, %arg1: memref<1000x128xf32, #tpu.memory_space<vmem>>, %arg2: memref<1000x3xi32, #tpu.memory_space<vmem>>, %arg3: memref<64x16xf32, #tpu.memory_space<vmem>>, %arg4: memref<1024x16xf32, #tpu.memory_space<vmem>>, %arg5: memref<256x16xf32, #tpu.memory_space<vmem>>, %arg6: memref<48x24xf32, #tpu.memory_space<vmem>>, %arg7: memref<1x24xf32, #tpu.memory_space<vmem>>, %arg8: memref<152x256xf32, #tpu.memory_space<vmem>>, %arg9: memref<2x1000x128xf32, #tpu.memory_space<vmem>>) attributes {dimension_semantics = [#tpu.dimension_semantics<arbitrary>], iteration_bounds = array<i64: 10>, scalar_prefetch = 0 : i64, scratch_operands = 0 : i64, tpu.core_type = #tpu.core_type<tc>, window_params = [{transform_indices = @transform_0, window_bounds = array<i64: 1000, 128>}, {transform_indices = @transform_1, window_bounds = array<i64: 1000, 3>}, {pipeline_mode = #tpu.pipeline_mode<synchronous>, transform_indices = @transform_2, window_bounds = array<i64: 64, 16>}, {pipeline_mode = #tpu.pipeline_mode<synchronous>, transform_indices = @transform_3, window_bounds = array<i64: 1024, 16>}, {pipeline_mode = #tpu.pipeline_mode<synchronous>, transform_indices = @transform_4, window_bounds = array<i64: 256, 16>}, {pipeline_mode = #tpu.pipeline_mode<synchronous>, transform_indices = @transform_5, window_bounds = array<i64: 48, 24>}, {pipeline_mode = #tpu.pipeline_mode<synchronous>, transform_indices = @transform_6, window_bounds = array<i64: 1, 24>}, {pipeline_mode = #tpu.pipeline_mode<synchronous>, transform_indices = @transform_7, window_bounds = array<i64: 152, 256>}, {transform_indices = @transform_8, window_bounds = array<i64: 2, 1000, 128>}]} {
    %get3A = arith.constant 0 : index
    %get3A_0 = arith.constant 0 : index
    %get3A_1 = vector.load %arg2[%get3A, %get3A_0] : memref<1000x3xi32, #tpu.memory_space<vmem>>, vector<1000x3xi32>
    %iota3A = tpu.iota {dimensions = array<i32: 1>} : vector<1000x64xi32>
    %slice3A = vector.extract_strided_slice %get3A_1 {offsets = [0, 0], sizes = [1000, 1], strides = [1, 1]} : vector<1000x3xi32> to vector<1000x1xi32>
    %eq3A = vector.broadcast %slice3A : vector<1000x1xi32> to vector<1000x64xi32>
    %eq3A_2 = arith.cmpi eq, %iota3A, %eq3A : vector<1000x64xi32>
    %convert_element_type3A = arith.extui %eq3A_2 : vector<1000x64xi1> to vector<1000x64xi32>
    %convert_element_type3A_3 = arith.sitofp %convert_element_type3A : vector<1000x64xi32> to vector<1000x64xf32>
    %iota3A_4 = tpu.iota {dimensions = array<i32: 1>} : vector<1000x1024xi32>
    %slice3A_5 = vector.extract_strided_slice %get3A_1 {offsets = [0, 1], sizes = [1000, 1], strides = [1, 1]} : vector<1000x3xi32> to vector<1000x1xi32>
    %eq3A_6 = vector.broadcast %slice3A_5 : vector<1000x1xi32> to vector<1000x1024xi32>
    %eq3A_7 = arith.cmpi eq, %iota3A_4, %eq3A_6 : vector<1000x1024xi32>
    %convert_element_type3A_8 = arith.extui %eq3A_7 : vector<1000x1024xi1> to vector<1000x1024xi32>
    %convert_element_type3A_9 = arith.sitofp %convert_element_type3A_8 : vector<1000x1024xi32> to vector<1000x1024xf32>
    %iota3A_10 = tpu.iota {dimensions = array<i32: 1>} : vector<1000x256xi32>
    %slice3A_11 = vector.extract_strided_slice %get3A_1 {offsets = [0, 2], sizes = [1000, 1], strides = [1, 1]} : vector<1000x3xi32> to vector<1000x1xi32>
    %eq3A_12 = vector.broadcast %slice3A_11 : vector<1000x1xi32> to vector<1000x256xi32>
    %eq3A_13 = arith.cmpi eq, %iota3A_10, %eq3A_12 : vector<1000x256xi32>
    %convert_element_type3A_14 = arith.extui %eq3A_13 : vector<1000x256xi1> to vector<1000x256xi32>
    %convert_element_type3A_15 = arith.sitofp %convert_element_type3A_14 : vector<1000x256xi32> to vector<1000x256xf32>
    %get3A_16 = arith.constant 0 : index
    %get3A_17 = arith.constant 0 : index
    %get3A_18 = vector.load %arg3[%get3A_16, %get3A_17] : memref<64x16xf32, #tpu.memory_space<vmem>>, vector<64x16xf32>
    %dot_general3A = arith.constant dense<0.000000e+00> : vector<1000x16xf32>
    %dot_general3A_19 = tpu.matmul %convert_element_type3A_3, %get3A_18, %dot_general3A {dimension_numbers = #tpu.dot_dimension_numbers<[1], [0], [0], [1], [0, 0, 1, 1], [], []>, transpose_lhs_hint = false} : vector<1000x64xf32>, vector<64x16xf32>, vector<1000x16xf32> -> vector<1000x16xf32>
    %get3A_20 = arith.constant 0 : index
    %get3A_21 = arith.constant 0 : index
    %get3A_22 = vector.load %arg4[%get3A_20, %get3A_21] : memref<1024x16xf32, #tpu.memory_space<vmem>>, vector<1024x16xf32>
    %dot_general3A_23 = arith.constant dense<0.000000e+00> : vector<1000x16xf32>
    %dot_general3A_24 = tpu.matmul %convert_element_type3A_9, %get3A_22, %dot_general3A_23 {dimension_numbers = #tpu.dot_dimension_numbers<[1], [0], [0], [1], [0, 0, 1, 1], [], []>, transpose_lhs_hint = false} : vector<1000x1024xf32>, vector<1024x16xf32>, vector<1000x16xf32> -> vector<1000x16xf32>
    %get3A_25 = arith.constant 0 : index
    %get3A_26 = arith.constant 0 : index
    %get3A_27 = vector.load %arg5[%get3A_25, %get3A_26] : memref<256x16xf32, #tpu.memory_space<vmem>>, vector<256x16xf32>
    %dot_general3A_28 = arith.constant dense<0.000000e+00> : vector<1000x16xf32>
    %dot_general3A_29 = tpu.matmul %convert_element_type3A_15, %get3A_27, %dot_general3A_28 {dimension_numbers = #tpu.dot_dimension_numbers<[1], [0], [0], [1], [0, 0, 1, 1], [], []>, transpose_lhs_hint = false} : vector<1000x256xf32>, vector<256x16xf32>, vector<1000x16xf32> -> vector<1000x16xf32>
    %concatenate3A = tpu.concatenate %dot_general3A_19, %dot_general3A_24, %dot_general3A_29 in 1 : vector<1000x16xf32>, vector<1000x16xf32>, vector<1000x16xf32> -> vector<1000x48xf32>
    %get3A_30 = arith.constant 0 : index
    %get3A_31 = arith.constant 0 : index
    %get3A_32 = vector.load %arg6[%get3A_30, %get3A_31] : memref<48x24xf32, #tpu.memory_space<vmem>>, vector<48x24xf32>
    %dot_general3A_33 = arith.constant dense<0.000000e+00> : vector<1000x24xf32>
    %dot_general3A_34 = tpu.matmul %concatenate3A, %get3A_32, %dot_general3A_33 {dimension_numbers = #tpu.dot_dimension_numbers<[1], [0], [0], [1], [0, 0, 1, 1], [], []>, precision = #tpu.contract_precision<fp32>, transpose_lhs_hint = false} : vector<1000x48xf32>, vector<48x24xf32>, vector<1000x24xf32> -> vector<1000x24xf32>
    %get3A_35 = arith.constant 0 : index
    %get3A_36 = arith.constant 0 : index
    %get3A_37 = vector.load %arg7[%get3A_35, %get3A_36] : memref<1x24xf32, #tpu.memory_space<vmem>>, vector<1x24xf32>
    %add3A = vector.broadcast %get3A_37 : vector<1x24xf32> to vector<1000x24xf32>
    %add3A_38 = arith.addf %dot_general3A_34, %add3A : vector<1000x24xf32>
    %max3A = arith.constant 0.000000e+00 : f32
    %max3A_39 = vector.broadcast %max3A : f32 to vector<1000x24xf32>
    %max3A_40 = arith.maximumf %add3A_38, %max3A_39 : vector<1000x24xf32>
    %get3A_41 = arith.constant 0 : index
    %get3A_42 = arith.constant 0 : index
    %get3A_43 = vector.load %arg1[%get3A_41, %get3A_42] : memref<1000x128xf32, #tpu.memory_space<vmem>>, vector<1000x128xf32>
    %concatenate3A_44 = tpu.concatenate %get3A_43, %max3A_40 in 1 : vector<1000x128xf32>, vector<1000x24xf32> -> vector<1000x152xf32>
    %get3A_45 = arith.constant 0 : index
    %get3A_46 = arith.constant 0 : index
    %get3A_47 = vector.load %arg8[%get3A_45, %get3A_46] : memref<152x256xf32, #tpu.memory_space<vmem>>, vector<152x256xf32>
    %dot_general3A_48 = arith.constant dense<0.000000e+00> : vector<1000x256xf32>
    %dot_general3A_49 = tpu.matmul %concatenate3A_44, %get3A_47, %dot_general3A_48 {dimension_numbers = #tpu.dot_dimension_numbers<[1], [0], [0], [1], [0, 0, 1, 1], [], []>, precision = #tpu.contract_precision<fp32>, transpose_lhs_hint = false} : vector<1000x152xf32>, vector<152x256xf32>, vector<1000x256xf32> -> vector<1000x256xf32>
    %slice3A_50 = vector.extract_strided_slice %dot_general3A_49 {offsets = [0, 0], sizes = [1000, 128], strides = [1, 1]} : vector<1000x256xf32> to vector<1000x128xf32>
    %swap3A = arith.constant 0 : index
    %swap3A_51 = arith.constant 0 : index
    %swap3A_52 = arith.constant 0 : index
    %swap3A_53 = vector.load %arg9[%swap3A, %swap3A_51, %swap3A_52] : memref<2x1000x128xf32, #tpu.memory_space<vmem>>, vector<1x1000x128xf32>
    %swap3A_54 = vector.shape_cast %swap3A_53 : vector<1x1000x128xf32> to vector<1000x128xf32>
    %swap3A_55 = vector.shape_cast %slice3A_50 : vector<1000x128xf32> to vector<1x1000x128xf32>
    tpu.vector_store %arg9[%swap3A, %swap3A_51, %swap3A_52], %swap3A_55 {strides = array<i32>} : memref<2x1000x128xf32, #tpu.memory_space<vmem>>, vector<1x1000x128xf32>,
    %slice3A_56 = vector.extract_strided_slice %dot_general3A_49 {offsets = [0, 128], sizes = [1000, 128], strides = [1, 1]} : vector<1000x256xf32> to vector<1000x128xf32>
    %swap3A_57 = arith.constant 1 : index
    %swap3A_58 = arith.constant 0 : index
    %swap3A_59 = arith.constant 0 : index
    %swap3A_60 = vector.load %arg9[%swap3A_57, %swap3A_58, %swap3A_59] : memref<2x1000x128xf32, #tpu.memory_space<vmem>>, vector<1x1000x128xf32>
    %swap3A_61 = vector.shape_cast %swap3A_60 : vector<1x1000x128xf32> to vector<1000x128xf32>
    %swap3A_62 = vector.shape_cast %slice3A_56 : vector<1000x128xf32> to vector<1x1000x128xf32>
    tpu.vector_store %arg9[%swap3A_57, %swap3A_58, %swap3A_59], %swap3A_62 {strides = array<i32>} : memref<2x1000x128xf32, #tpu.memory_space<vmem>>, vector<1x1000x128xf32>,
    return
  }
  func.func @transform_0(%arg0: i32) -> (i32, i32) {
    %c0_i32 = arith.constant 0 : i32
    %c0_i32_0 = arith.constant 0 : i32
    return %arg0, %c0_i32 : i32, i32
  }
  func.func @transform_1(%arg0: i32) -> (i32, i32) {
    %c0_i32 = arith.constant 0 : i32
    %c0_i32_0 = arith.constant 0 : i32
    return %arg0, %c0_i32 : i32, i32
  }
  func.func @transform_2(%arg0: i32) -> (i32, i32) {
    %c0_i32 = arith.constant 0 : i32
    %c0_i32_0 = arith.constant 0 : i32
    %c0_i32_1 = arith.constant 0 : i32
    return %c0_i32, %c0_i32_0 : i32, i32
  }
  func.func @transform_3(%arg0: i32) -> (i32, i32) {
    %c0_i32 = arith.constant 0 : i32
    %c0_i32_0 = arith.constant 0 : i32
    %c0_i32_1 = arith.constant 0 : i32
    return %c0_i32, %c0_i32_0 : i32, i32
  }
  func.func @transform_4(%arg0: i32) -> (i32, i32) {
    %c0_i32 = arith.constant 0 : i32
    %c0_i32_0 = arith.constant 0 : i32
    %c0_i32_1 = arith.constant 0 : i32
    return %c0_i32, %c0_i32_0 : i32, i32
  }
  func.func @transform_5(%arg0: i32) -> (i32, i32) {
    %c0_i32 = arith.constant 0 : i32
    %c0_i32_0 = arith.constant 0 : i32
    %c0_i32_1 = arith.constant 0 : i32
    return %c0_i32, %c0_i32_0 : i32, i32
  }
  func.func @transform_6(%arg0: i32) -> (i32, i32) {
    %c0_i32 = arith.constant 0 : i32
    %c0_i32_0 = arith.constant 0 : i32
    %c0_i32_1 = arith.constant 0 : i32
    return %c0_i32, %c0_i32_0 : i32, i32
  }
  func.func @transform_7(%arg0: i32) -> (i32, i32) {
    %c0_i32 = arith.constant 0 : i32
    %c0_i32_0 = arith.constant 0 : i32
    %c0_i32_1 = arith.constant 0 : i32
    return %c0_i32, %c0_i32_0 : i32, i32
  }
  func.func @transform_8(%arg0: i32) -> (i32, i32, i32) {
    %c0_i32 = arith.constant 0 : i32
    %c0_i32_0 = arith.constant 0 : i32
    %c0_i32_1 = arith.constant 0 : i32
    return %c0_i32, %arg0, %c0_i32_0 : i32, i32, i32
  }
}

module attributes {stable_mosaic.version = 14 : i64} {
  func.func @_ts_body(%arg0: i32, %arg1: memref<2x1000x128xf32, #tpu.memory_space<vmem>>, %arg2: memref<1000x2xf32, #tpu.memory_space<vmem>>, %arg3: memref<2x1000x128xf32, #tpu.memory_space<vmem>>) attributes {dimension_semantics = [#tpu.dimension_semantics<arbitrary>], iteration_bounds = array<i64: 10>, scalar_prefetch = 0 : i64, scratch_operands = 0 : i64, tpu.core_type = #tpu.core_type<tc>, window_params = [{transform_indices = @transform_0, window_bounds = array<i64: 2, 1000, 128>}, {transform_indices = @transform_1, window_bounds = array<i64: 1000, 2>}, {transform_indices = @transform_2, window_bounds = array<i64: 2, 1000, 128>}]} {
    %get3A = arith.constant 0 : index
    %get3A_0 = arith.constant 0 : index
    %get3A_1 = vector.load %arg2[%get3A, %get3A_0] : memref<1000x2xf32, #tpu.memory_space<vmem>>, vector<1000x2xf32>
    %reduce_sum3A = arith.constant dense<0.000000e+00> : vector<1000xf32>
    %reduce_sum3A_2 = vector.multi_reduction <add>, %get3A_1, %reduce_sum3A [1] : vector<1000x2xf32> to vector<1000xf32>
    %add3A = arith.constant 1.000000e+00 : f32
    %add3A_3 = vector.broadcast %add3A : f32 to vector<1000xf32>
    %add3A_4 = arith.addf %reduce_sum3A_2, %add3A_3 : vector<1000xf32>
    %rsqrt3A = math.rsqrt %add3A_4 : vector<1000xf32>
    %get3A_5 = arith.constant 0 : index
    %get3A_6 = arith.constant 0 : index
    %get3A_7 = arith.constant 0 : index
    %get3A_8 = vector.load %arg1[%get3A_5, %get3A_6, %get3A_7] : memref<2x1000x128xf32, #tpu.memory_space<vmem>>, vector<2x1000x128xf32>
    %broadcast_in_dim3A = vector.shape_cast %rsqrt3A : vector<1000xf32> to vector<1x1000x1xf32>
    %mul3A = vector.broadcast %broadcast_in_dim3A : vector<1x1000x1xf32> to vector<2x1000x128xf32>
    %mul3A_9 = arith.mulf %get3A_8, %mul3A : vector<2x1000x128xf32>
    %swap3A = arith.constant 0 : index
    %swap3A_10 = arith.constant 0 : index
    %swap3A_11 = arith.constant 0 : index
    %swap3A_12 = vector.load %arg3[%swap3A, %swap3A_10, %swap3A_11] : memref<2x1000x128xf32, #tpu.memory_space<vmem>>, vector<2x1000x128xf32>
    tpu.vector_store %arg3[%swap3A, %swap3A_10, %swap3A_11], %mul3A_9 {strides = array<i32>} : memref<2x1000x128xf32, #tpu.memory_space<vmem>>, vector<2x1000x128xf32>,
    return
  }
  func.func @transform_0(%arg0: i32) -> (i32, i32, i32) {
    %c0_i32 = arith.constant 0 : i32
    %c0_i32_0 = arith.constant 0 : i32
    %c0_i32_1 = arith.constant 0 : i32
    return %c0_i32, %arg0, %c0_i32_0 : i32, i32, i32
  }
  func.func @transform_1(%arg0: i32) -> (i32, i32) {
    %c0_i32 = arith.constant 0 : i32
    %c0_i32_0 = arith.constant 0 : i32
    return %arg0, %c0_i32 : i32, i32
  }
  func.func @transform_2(%arg0: i32) -> (i32, i32, i32) {
    %c0_i32 = arith.constant 0 : i32
    %c0_i32_0 = arith.constant 0 : i32
    %c0_i32_1 = arith.constant 0 : i32
    return %c0_i32, %arg0, %c0_i32_0 : i32, i32, i32
  }
}

module attributes {stable_mosaic.version = 14 : i64} {
  func.func @_t2_body(%arg0: i32, %arg1: memref<1x10000x128xf32, #tpu.memory_space<vmem>>, %arg2: memref<10000x2xf32, #tpu.memory_space<vmem>>, %arg3: memref<1x1x128xf32, #tpu.memory_space<vmem>>, %arg4: memref<1x1x128xf32, #tpu.memory_space<vmem>>, %arg5: memref<1x1x128xf32, #tpu.memory_space<vmem>>, %arg6: memref<128x128xf32, #tpu.memory_space<vmem>>, %arg7: memref<10000x128xf32, #tpu.memory_space<vmem>>) attributes {dimension_semantics = [#tpu.dimension_semantics<arbitrary>], iteration_bounds = array<i64: 2>, scalar_prefetch = 0 : i64, scratch_operands = 0 : i64, tpu.core_type = #tpu.core_type<tc>, window_params = [{transform_indices = @transform_0, window_bounds = array<i64: 1, 10000, 128>}, {pipeline_mode = #tpu.pipeline_mode<synchronous>, transform_indices = @transform_1, window_bounds = array<i64: 10000, 2>}, {transform_indices = @transform_2, window_bounds = array<i64: 1, 1, 128>}, {transform_indices = @transform_3, window_bounds = array<i64: 1, 1, 128>}, {transform_indices = @transform_4, window_bounds = array<i64: 1, 1, 128>}, {transform_indices = @transform_5, window_bounds = array<i64: 128, 128>}, {pipeline_mode = #tpu.pipeline_mode<synchronous>, transform_indices = @transform_6, window_bounds = array<i64: 10000, 128>}]} {
    %get3A = arith.constant 0 : index
    %get3A_0 = arith.constant 0 : index
    %get3A_1 = vector.load %arg2[%get3A, %get3A_0] : memref<10000x2xf32, #tpu.memory_space<vmem>>, vector<10000x2xf32>
    %reduce_sum3A = arith.constant dense<0.000000e+00> : vector<10000xf32>
    %reduce_sum3A_2 = vector.multi_reduction <add>, %get3A_1, %reduce_sum3A [1] : vector<10000x2xf32> to vector<10000xf32>
    %add3A = arith.constant 1.000000e+00 : f32
    %add3A_3 = vector.broadcast %add3A : f32 to vector<10000xf32>
    %add3A_4 = arith.addf %reduce_sum3A_2, %add3A_3 : vector<10000xf32>
    %rsqrt3A = math.rsqrt %add3A_4 : vector<10000xf32>
    %get3A_5 = arith.constant 0 : index
    %get3A_6 = arith.constant 0 : index
    %get3A_7 = arith.constant 0 : index
    %get3A_8 = vector.load %arg1[%get3A_5, %get3A_6, %get3A_7] : memref<1x10000x128xf32, #tpu.memory_space<vmem>>, vector<1x10000x128xf32>
    %get3A_9 = vector.shape_cast %get3A_8 : vector<1x10000x128xf32> to vector<10000x128xf32>
    %broadcast_in_dim3A = vector.shape_cast %rsqrt3A : vector<10000xf32> to vector<10000x1xf32>
    %mul3A = vector.broadcast %broadcast_in_dim3A : vector<10000x1xf32> to vector<10000x128xf32>
    %mul3A_10 = arith.mulf %get3A_9, %mul3A : vector<10000x128xf32>
    %get3A_11 = arith.constant 0 : index
    %get3A_12 = arith.constant 0 : index
    %get3A_13 = arith.constant 0 : index
    %get3A_14 = vector.load %arg3[%get3A_11, %get3A_12, %get3A_13] : memref<1x1x128xf32, #tpu.memory_space<vmem>>, vector<1x1x128xf32>
    %get3A_15 = vector.shape_cast %get3A_14 : vector<1x1x128xf32> to vector<1x128xf32>
    %add3A_16 = vector.broadcast %get3A_15 : vector<1x128xf32> to vector<10000x128xf32>
    %add3A_17 = arith.addf %mul3A_10, %add3A_16 : vector<10000x128xf32>
    %reduce_sum3A_18 = arith.constant dense<0.000000e+00> : vector<128xf32>
    %reduce_sum3A_19 = vector.multi_reduction <add>, %add3A_17, %reduce_sum3A_18 [0] : vector<10000x128xf32> to vector<128xf32>
    %div3A = arith.constant 1.000000e+04 : f32
    %div3A_20 = vector.broadcast %div3A : f32 to vector<128xf32>
    %div3A_21 = arith.divf %reduce_sum3A_19, %div3A_20 : vector<128xf32>
    %broadcast_in_dim3A_22 = vector.shape_cast %div3A_21 : vector<128xf32> to vector<1x128xf32>
    %sub3A = vector.broadcast %broadcast_in_dim3A_22 : vector<1x128xf32> to vector<10000x128xf32>
    %sub3A_23 = arith.subf %add3A_17, %sub3A : vector<10000x128xf32>
    %integer_pow3A = arith.mulf %sub3A_23, %sub3A_23 : vector<10000x128xf32>
    %reduce_sum3A_24 = arith.constant dense<0.000000e+00> : vector<128xf32>
    %reduce_sum3A_25 = vector.multi_reduction <add>, %integer_pow3A, %reduce_sum3A_24 [0] : vector<10000x128xf32> to vector<128xf32>
    %div3A_26 = arith.constant 1.000000e+04 : f32
    %div3A_27 = vector.broadcast %div3A_26 : f32 to vector<128xf32>
    %div3A_28 = arith.divf %reduce_sum3A_25, %div3A_27 : vector<128xf32>
    %broadcast_in_dim3A_29 = vector.shape_cast %div3A_21 : vector<128xf32> to vector<1x128xf32>
    %sub3A_30 = vector.broadcast %broadcast_in_dim3A_29 : vector<1x128xf32> to vector<10000x128xf32>
    %sub3A_31 = arith.subf %add3A_17, %sub3A_30 : vector<10000x128xf32>
    %add3A_32 = arith.constant 9.99999974E-6 : f32
    %add3A_33 = vector.broadcast %add3A_32 : f32 to vector<128xf32>
    %add3A_34 = arith.addf %div3A_28, %add3A_33 : vector<128xf32>
    %rsqrt3A_35 = math.rsqrt %add3A_34 : vector<128xf32>
    %broadcast_in_dim3A_36 = vector.shape_cast %rsqrt3A_35 : vector<128xf32> to vector<1x128xf32>
    %mul3A_37 = vector.broadcast %broadcast_in_dim3A_36 : vector<1x128xf32> to vector<10000x128xf32>
    %mul3A_38 = arith.mulf %sub3A_31, %mul3A_37 : vector<10000x128xf32>
    %get3A_39 = arith.constant 0 : index
    %get3A_40 = arith.constant 0 : index
    %get3A_41 = arith.constant 0 : index
    %get3A_42 = vector.load %arg4[%get3A_39, %get3A_40, %get3A_41] : memref<1x1x128xf32, #tpu.memory_space<vmem>>, vector<1x1x128xf32>
    %get3A_43 = vector.shape_cast %get3A_42 : vector<1x1x128xf32> to vector<1x128xf32>
    %mul3A_44 = vector.broadcast %get3A_43 : vector<1x128xf32> to vector<10000x128xf32>
    %mul3A_45 = arith.mulf %mul3A_38, %mul3A_44 : vector<10000x128xf32>
    %get3A_46 = arith.constant 0 : index
    %get3A_47 = arith.constant 0 : index
    %get3A_48 = arith.constant 0 : index
    %get3A_49 = vector.load %arg5[%get3A_46, %get3A_47, %get3A_48] : memref<1x1x128xf32, #tpu.memory_space<vmem>>, vector<1x1x128xf32>
    %get3A_50 = vector.shape_cast %get3A_49 : vector<1x1x128xf32> to vector<1x128xf32>
    %add3A_51 = vector.broadcast %get3A_50 : vector<1x128xf32> to vector<10000x128xf32>
    %add3A_52 = arith.addf %mul3A_45, %add3A_51 : vector<10000x128xf32>
    %max3A = arith.constant 0.000000e+00 : f32
    %max3A_53 = vector.broadcast %max3A : f32 to vector<10000x128xf32>
    %max3A_54 = arith.maximumf %add3A_52, %max3A_53 : vector<10000x128xf32>
    %get3A_55 = arith.constant 0 : index
    %get3A_56 = arith.constant 0 : index
    %get3A_57 = vector.load %arg6[%get3A_55, %get3A_56] : memref<128x128xf32, #tpu.memory_space<vmem>>, vector<128x128xf32>
    %dot_general3A = arith.constant dense<0.000000e+00> : vector<10000x128xf32>
    %dot_general3A_58 = tpu.matmul %max3A_54, %get3A_57, %dot_general3A {dimension_numbers = #tpu.dot_dimension_numbers<[1], [0], [0], [1], [0, 0, 1, 1], [], []>, precision = #tpu.contract_precision<fp32>, transpose_lhs_hint = false} : vector<10000x128xf32>, vector<128x128xf32>, vector<10000x128xf32> -> vector<10000x128xf32>
    %broadcast_in_dim3A_59 = vector.shape_cast %rsqrt3A : vector<10000xf32> to vector<10000x1xf32>
    %mul3A_60 = vector.broadcast %broadcast_in_dim3A_59 : vector<10000x1xf32> to vector<10000x128xf32>
    %mul3A_61 = arith.mulf %dot_general3A_58, %mul3A_60 : vector<10000x128xf32>
    %eq3A = arith.constant 0 : i32
    %eq3A_62 = arith.cmpi eq, %arg0, %eq3A : i32
    %convert_element_type3A = arith.extui %eq3A_62 : i1 to i32
    %cond3A = arith.constant 0 : i32
    %cond3A_63 = arith.cmpi ne, %convert_element_type3A, %cond3A : i32
    scf.if %cond3A_63 {
      %swap3A = arith.constant 0 : index
      %swap3A_68 = arith.constant 0 : index
      %swap3A_69 = vector.load %arg7[%swap3A, %swap3A_68] : memref<10000x128xf32, #tpu.memory_space<vmem>>, vector<10000x128xf32>
      tpu.vector_store %arg7[%swap3A, %swap3A_68], %mul3A_61 {strides = array<i32>} : memref<10000x128xf32, #tpu.memory_space<vmem>>, vector<10000x128xf32>,
    } else {
    }
    %ne3A = arith.constant 0 : i32
    %ne3A_64 = arith.cmpi ne, %arg0, %ne3A : i32
    %convert_element_type3A_65 = arith.extui %ne3A_64 : i1 to i32
    %cond3A_66 = arith.constant 0 : i32
    %cond3A_67 = arith.cmpi ne, %convert_element_type3A_65, %cond3A_66 : i32
    scf.if %cond3A_67 {
      %get3A_68 = arith.constant 0 : index
      %get3A_69 = arith.constant 0 : index
      %get3A_70 = vector.load %arg7[%get3A_68, %get3A_69] : memref<10000x128xf32, #tpu.memory_space<vmem>>, vector<10000x128xf32>
      %add3A_71 = arith.addf %get3A_70, %mul3A_61 : vector<10000x128xf32>
      %swap3A = arith.constant 0 : index
      %swap3A_72 = arith.constant 0 : index
      %swap3A_73 = vector.load %arg7[%swap3A, %swap3A_72] : memref<10000x128xf32, #tpu.memory_space<vmem>>, vector<10000x128xf32>
      tpu.vector_store %arg7[%swap3A, %swap3A_72], %add3A_71 {strides = array<i32>} : memref<10000x128xf32, #tpu.memory_space<vmem>>, vector<10000x128xf32>,
    } else {
    }
    return
  }
  func.func @transform_0(%arg0: i32) -> (i32, i32, i32) {
    %c0_i32 = arith.constant 0 : i32
    %c0_i32_0 = arith.constant 0 : i32
    %c0_i32_1 = arith.constant 0 : i32
    return %arg0, %c0_i32, %c0_i32_0 : i32, i32, i32
  }
  func.func @transform_1(%arg0: i32) -> (i32, i32) {
    %c0_i32 = arith.constant 0 : i32
    %c0_i32_0 = arith.constant 0 : i32
    %c0_i32_1 = arith.constant 0 : i32
    return %c0_i32, %c0_i32_0 : i32, i32
  }
  func.func @transform_2(%arg0: i32) -> (i32, i32, i32) {
    %c0_i32 = arith.constant 0 : i32
    %c0_i32_0 = arith.constant 0 : i32
    %c0_i32_1 = arith.constant 0 : i32
    return %arg0, %c0_i32, %c0_i32_0 : i32, i32, i32
  }
  func.func @transform_3(%arg0: i32) -> (i32, i32, i32) {
    %c0_i32 = arith.constant 0 : i32
    %c0_i32_0 = arith.constant 0 : i32
    %c0_i32_1 = arith.constant 0 : i32
    return %arg0, %c0_i32, %c0_i32_0 : i32, i32, i32
  }
  func.func @transform_4(%arg0: i32) -> (i32, i32, i32) {
    %c0_i32 = arith.constant 0 : i32
    %c0_i32_0 = arith.constant 0 : i32
    %c0_i32_1 = arith.constant 0 : i32
    return %arg0, %c0_i32, %c0_i32_0 : i32, i32, i32
  }
  func.func @transform_5(%arg0: i32) -> (i32, i32) {
    %c0_i32 = arith.constant 0 : i32
    %c0_i32_0 = arith.constant 0 : i32
    return %arg0, %c0_i32 : i32, i32
  }
  func.func @transform_6(%arg0: i32) -> (i32, i32) {
    %c0_i32 = arith.constant 0 : i32
    %c0_i32_0 = arith.constant 0 : i32
    %c0_i32_1 = arith.constant 0 : i32
    return %c0_i32, %c0_i32_0 : i32, i32
  }
}

module attributes {stable_mosaic.version = 14 : i64} {
  func.func @_t3_body(%arg0: memref<2x10000x128xf32, #tpu.memory_space<vmem>>, %arg1: memref<10000x128xf32, #tpu.memory_space<vmem>>, %arg2: memref<10000x2xf32, #tpu.memory_space<vmem>>, %arg3: memref<1x128xf32, #tpu.memory_space<vmem>>, %arg4: memref<10000x128xf32, #tpu.memory_space<vmem>>) attributes {dimension_semantics = [], scalar_prefetch = 0 : i64, scratch_operands = 0 : i64, tpu.core_type = #tpu.core_type<tc>} {
    %get3A = arith.constant 0 : index
    %get3A_0 = arith.constant 0 : index
    %get3A_1 = vector.load %arg2[%get3A, %get3A_0] : memref<10000x2xf32, #tpu.memory_space<vmem>>, vector<10000x2xf32>
    %reduce_sum3A = arith.constant dense<0.000000e+00> : vector<10000xf32>
    %reduce_sum3A_2 = vector.multi_reduction <add>, %get3A_1, %reduce_sum3A [1] : vector<10000x2xf32> to vector<10000xf32>
    %add3A = arith.constant 1.000000e+00 : f32
    %add3A_3 = vector.broadcast %add3A : f32 to vector<10000xf32>
    %add3A_4 = arith.addf %reduce_sum3A_2, %add3A_3 : vector<10000xf32>
    %rsqrt3A = math.rsqrt %add3A_4 : vector<10000xf32>
    %get3A_5 = arith.constant 0 : index
    %get3A_6 = arith.constant 0 : index
    %get3A_7 = arith.constant 0 : index
    %get3A_8 = vector.load %arg0[%get3A_5, %get3A_6, %get3A_7] : memref<2x10000x128xf32, #tpu.memory_space<vmem>>, vector<2x10000x128xf32>
    %slice3A = vector.extract_strided_slice %get3A_8 {offsets = [0, 0, 0], sizes = [1, 10000, 128], strides = [1, 1, 1]} : vector<2x10000x128xf32> to vector<1x10000x128xf32>
    %squeeze3A = vector.shape_cast %slice3A : vector<1x10000x128xf32> to vector<10000x128xf32>
    %slice3A_9 = vector.extract_strided_slice %get3A_8 {offsets = [1, 0, 0], sizes = [1, 10000, 128], strides = [1, 1, 1]} : vector<2x10000x128xf32> to vector<1x10000x128xf32>
    %squeeze3A_10 = vector.shape_cast %slice3A_9 : vector<1x10000x128xf32> to vector<10000x128xf32>
    %add3A_11 = arith.addf %squeeze3A, %squeeze3A_10 : vector<10000x128xf32>
    %get3A_12 = arith.constant 0 : index
    %get3A_13 = arith.constant 0 : index
    %get3A_14 = vector.load %arg1[%get3A_12, %get3A_13] : memref<10000x128xf32, #tpu.memory_space<vmem>>, vector<10000x128xf32>
    %sub3A = arith.subf %add3A_11, %get3A_14 : vector<10000x128xf32>
    %broadcast_in_dim3A = vector.shape_cast %rsqrt3A : vector<10000xf32> to vector<10000x1xf32>
    %mul3A = vector.broadcast %broadcast_in_dim3A : vector<10000x1xf32> to vector<10000x128xf32>
    %mul3A_15 = arith.mulf %sub3A, %mul3A : vector<10000x128xf32>
    %get3A_16 = arith.constant 0 : index
    %get3A_17 = arith.constant 0 : index
    %get3A_18 = vector.load %arg3[%get3A_16, %get3A_17] : memref<1x128xf32, #tpu.memory_space<vmem>>, vector<1x128xf32>
    %add3A_19 = vector.broadcast %get3A_18 : vector<1x128xf32> to vector<10000x128xf32>
    %add3A_20 = arith.addf %mul3A_15, %add3A_19 : vector<10000x128xf32>
    %swap3A = arith.constant 0 : index
    %swap3A_21 = arith.constant 0 : index
    %swap3A_22 = vector.load %arg4[%swap3A, %swap3A_21] : memref<10000x128xf32, #tpu.memory_space<vmem>>, vector<10000x128xf32>
    tpu.vector_store %arg4[%swap3A, %swap3A_21], %add3A_20 {strides = array<i32>} : memref<10000x128xf32, #tpu.memory_space<vmem>>, vector<10000x128xf32>,
    return
  }
}

</mosaic_0001>

<sc_bundles>
// kernel: kernel.12.cloned.1.call-start
scs
__scs_entry_jumppad:
0x0: {  	(pc) =	sbr.rel $0x88, $3  }
0x1: {  	(tag) =	ssettag $0x0;
	lr =	simm.s32 $0x1  }
0x2: {  	[smem:$0x3F91] =	sst lr;
	_ =	strace $0xD0000000  }
0x3: {  	_ = 	snop  }
0x4: {  	_ = 	snop  }
0x5: {  	_ = 	snop  }
0x6: {  	_ = 	snop  }
0x7: {  	_ = 	snop  }
__scs_overlays_trampoline_lowered:
0x8: {  	[smem:$0x3FA0] =	sst s0  }
0x9: {  	[smem:$0x3FA1] =	sst s1  }
0xa: {  	[smem:$0x3FA2] =	sst s2  }
0xb: {  	[smem:$0x3FA3] =	sst s3  }
0xc: {  	[smem:$0x3FA4] =	sst s4  }
0xd: {  	[smem:$0x3FA5] =	sst s5  }
0xe: {  	[smem:$0x3FA6] =	sst s6  }
0xf: {  	[smem:$0x3FA7] =	sst s7  }
0x10: {  	[smem:$0x3FA8] =	sst s8  }
0x11: {  	[smem:$0x3FA9] =	sst s9;
	s0 =	simm.s32 @!p0 $0x0  }
0x12: {  	s1 =	sld [smem:$0x3F8F];
	s0 =	simm.s32 @p0 $0x1  }
0x13: {  	[smem:$0x3FAA] =	sst s0;
	s0 =	simm.s32 @!p1 $0x0  }
0x14: {  	s2 =	sld [smem:$0x3F8E];
	s0 =	simm.s32 @p1 $0x1  }
0x15: {  	[smem:$0x3FAB] =	sst s0;
	s0 =	simm.s32 @!p2 $0x0  }
0x16: {  	s3 =	sld [smem:$0x3FDB];
	s0 =	simm.s32 @p2 $0x1  }
0x17: {  	s4 =	simm.s32 $0x1BF5;
	[smem:$0x3FAD] =	sst s0  }
0x18: {  	s0 =	sld [smem:$0x3F90];
	_ =	swait.ge [sflag:s4], $0x0  }
0x19: {  	s7 =	sld [smem:$0x3F91]  }
0x1a: {  	s8 =	sadd.s32 $0xFFFFE003, lr  }
0x1b: {  	s9 =	sadd.s32 $0xFFFFFEF7, lr;
	s5 =	simm.s32 $0xFFFFFFFF;
	p2 =	slt.u32 s8, $0xFFFFF086  }
0x1c: {  	p1 =	slt.u32 s9, $0xF7A;
	s5 =	simm.s32 @!p2 $0x0  }
0x1d: {  	s5 =	simm.s32 @p1 $0x1;
	p0 =	seq.s32 s7, s2  }
0x1e: {  	s7 =	smul.u32 @!p0 $0xF7A, s2;
	p2 =	seq.s32 @!p0 s5, $0x0  }
0x1f: {  	s9 =	smul.u32 $0xF7A, s1;
	s8 =	simm.s32 @!p0 $0x1BF5;
	p2 =	por !p2, p0  }
0x20: {  	[sflag:s8] =	ssyncset.s32 @!p0 $0xFFFFF086;
	s6 =	sadd.s32 @!p0 s3, s7;
	s7 =	simm.s32 @!p0 $0x108  }
0x21: {  	s3 =	sadd.s32 s3, s9;
	s6 =	sadd.s32 @!p0 $0x88, s6;
	s7 =	simm.s32 @p2 $0x1082  }
0x22: {  	[simem:s7], [sflag:s8] =	dma.local @!p0 [hbm:s6], $0xF7A  }
0x23: {  	s9 =	sor.u32 $0xD0000000, s2;
	s6 =	simm.s32 $0x108;
	_ =	swait.ge @!p0 [sflag:s8], $0x0  }
0x24: {  	s3 =	sadd.s32 $0x88, s3;
	s6 =	simm.s32 @!p1 $0x1082;
	[sflag:s4] =	ssyncset.s32 $0xFFFFF086  }
0x25: {  	[simem:s6], [sflag:s4] =	dma.local [hbm:s3], $0xF7A  }
0x26: {  	[smem:$0x3F91] =	sst s1;
	(tag) =	ssettag s2;
	_ =	strace s9  }
0x27: {  	s1 =	sld [smem:$0x3FA1]  }
0x28: {  	s2 =	sld [smem:$0x3FA2]  }
0x29: {  	s4 =	sld [smem:$0x3FA4]  }
0x2a: {  	p0 =	seq.s32 s5, $0x0;
	s5 =	sld [smem:$0x3FA5]  }
0x2b: {  	s6 =	sld [smem:$0x3FA6]  }
0x2c: {  	s7 =	sld [smem:$0x3FA7]  }
0x2d: {  	s3 =	simm.s32 $0x108;
	s8 =	sld [smem:$0x3FA8]  }
0x2e: {  	s3 =	simm.s32 @!p0 $0x1082;
	s9 =	sld [smem:$0x3FA9]  }
0x2f: {  	lr =	sadd.s32 s0, s3;
	s0 =	sld [smem:$0x3FA0]  }
0x30: {  	s3 =	sld [smem:$0x3FA3]  }
0x31: {  	[smem:$0x3FAC] =	sst s10  }
0x32: {  	s10 =	sld [smem:$0x3FAA];
	_ =	sdelay $0x3  }
0x33: {  	p0 =	seq.s32 s10, $0x1;
	s10 =	sld [smem:$0x3FAC];
	_ =	sdelay $0x3  }
0x34: {  	[smem:$0x3FAC] =	sst s10  }
0x35: {  	s10 =	sld [smem:$0x3FAB];
	_ =	sdelay $0x3  }
0x36: {  	p1 =	seq.s32 s10, $0x1;
	s10 =	sld [smem:$0x3FAC];
	_ =	sdelay $0x3  }
0x37: {  	[smem:$0x3FAC] =	sst s10  }
0x38: {  	s10 =	sld [smem:$0x3FAD]  }
0x39: {  	_ = 	snop;
	(pc) =	sbr.ind lr, $3  }
0x3a: {  	_ = 	snop  }
0x3b: {  	_ = 	snop  }
0x3c: {  	p2 =	seq.s32 s10, $0x1;
	s10 =	sld [smem:$0x3FAC]  }
0x3d: {  	_ =	shalt  }
0x3e: {  	_ =	shalt  }
0x3f: {  	_ =	shalt  }
0x40: {  	_ =	shalt  }
0x41: {  	_ =	shalt  }
0x42: {  	_ =	shalt  }
0x43: {  	_ =	shalt  }
0x44: {  	_ =	shalt  }
0x45: {  	_ =	shalt  }
0x46: {  	_ =	shalt  }
0x47: {  	_ =	shalt  }
0x48: {  	_ =	shalt  }
0x49: {  	_ =	shalt  }
0x4a: {  	_ =	shalt  }
0x4b: {  	_ =	shalt  }
0x4c: {  	_ =	shalt  }
0x4d: {  	_ =	shalt  }
0x4e: {  	_ =	shalt  }
0x4f: {  	_ =	shalt  }
0x50: {  	_ =	shalt  }
0x51: {  	_ =	shalt  }
0x52: {  	_ =	shalt  }
0x53: {  	_ =	shalt  }
0x54: {  	_ =	shalt  }
0x55: {  	_ =	shalt  }
0x56: {  	_ =	shalt  }
0x57: {  	_ =	shalt  }
0x58: {  	_ =	shalt  }
0x59: {  	_ =	shalt  }
0x5a: {  	_ =	shalt  }
0x5b: {  	_ =	shalt  }
0x5c: {  	_ =	shalt  }
0x5d: {  	_ =	shalt  }
0x5e: {  	_ =	shalt  }
0x5f: {  	_ =	shalt  }
0x60: {  	_ =	shalt  }
0x61: {  	_ =	shalt  }
0x62: {  	_ =	shalt  }
0x63: {  	_ =	shalt  }
0x64: {  	_ =	shalt  }
0x65: {  	_ =	shalt  }
0x66: {  	_ =	shalt  }
0x67: {  	_ =	shalt  }
0x68: {  	_ =	shalt  }
0x69: {  	_ =	shalt  }
0x6a: {  	_ =	shalt  }
0x6b: {  	_ =	shalt  }
0x6c: {  	_ =	shalt  }
0x6d: {  	_ =	shalt  }
0x6e: {  	_ =	shalt  }
0x6f: {  	_ =	shalt  }
0x70: {  	_ =	shalt  }
0x71: {  	_ =	shalt  }
0x72: {  	_ =	shalt  }
0x73: {  	_ =	shalt  }
0x74: {  	_ =	shalt  }
0x75: {  	_ =	shalt  }
0x76: {  	_ =	shalt  }
0x77: {  	_ =	shalt  }
0x78: {  	_ =	shalt  }
0x79: {  	_ =	shalt  }
0x7a: {  	_ =	shalt  }
0x7b: {  	_ =	shalt  }
0x7c: {  	_ =	shalt  }
0x7d: {  	_ =	shalt  }
0x7e: {  	_ =	shalt  }
0x7f: {  	_ =	shalt  }
0x80: {  	_ =	shalt  }
0x81: {  	_ =	shalt  }
0x82: {  	_ =	shalt  }
0x83: {  	_ =	shalt  }
0x84: {  	_ =	shalt  }
0x85: {  	_ =	shalt  }
0x86: {  	_ =	shalt  }
0x87: {  	_ =	shalt  }
.Lfunc_end0:
.L_simem_size_0:
called_computation.1_lowered:
.L_overlay_start_0:
0x88: {  	s2 =	sld [smem:$0x3FD9]  }
0x89: {  	s3 =	sld [smem:$0x3FFE];
	_ =	sdelay $0x1  }
0x8a: {  	s1 =	srdreg.scid  }
0x8b: {  	s0 =	sand.u32 $0x1, s1  }
0x8c: {  	s16 =	sshll.u32 s0, $0xA;
	s2 =	sadd.s32 s3, s2  }
0x8d: {  	s2 =	sadd.s32 s2, s16  }
0x8e: {  	[smem:$0x3FB8] =	sst s2  }
0x8f: {  	_ = 	snop  }
0x90: {  	(tm) =	ssettm $0x1  }
0x91: {  	s17 =	sld [smem:$0x3FFB];
	_ =	sdelay $0x3  }
0x92: {  	_ =	strace s17  }
0x93: {  	s2 =	sld [smem:$0x3FFC];
	_ =	sdelay $0x3  }
0x94: {  	_ =	strace s2  }
0x95: {  	s2 =	sld [smem:$0x3FFD];
	_ =	sdelay $0x3  }
0x96: {  	_ =	strace s2  }
0x97: {  	_ =	strace $0x8FFFFFFF  }
0x98: {  	s18 =	sld [smem:$0x3FDB];
	_ =	sdelay $0x1  }
0x99: {  	s19 =	simm.s32 $_scs_section_size  }
0x9a: {  	s4 =	simm.s32 $_size__tile_overlayer_lowered;
	s5 =	simm.s32 $_tile_overlayer_lowered  }
0x9b: {  	s22 =	simm.s32 $0x1BFF;
	s21 =	sshll.u32 s5, $0x1;
	s2 =	sadd.s32 s19, s18  }
0x9c: {  	s6 =	simm.s32 $0x0;
	s20 =	sshll.u32 s4, $0x1;
	s4 =	sadd.s32 s21, s2  }
0x9d: {  	[timem:s6], [sflag:s22] =	dma.local [hbm:s4], s20  }
0x9e: {  	_ =	swait.ge [sflag:s22], s20  }
0x9f: {  	s3 =	ssub.s32 $0x0, s20;
	[sflag:s22] =	ssyncset.done $0x0  }
0xa0: {  	[sflag:s22] =	ssyncadd.s32 s3;
	_ =	sdelay $0x1  }
0xa1: {  	s23 =	simm.s32 $0x1B8B  }
0xa2: {  	_ =	swait.ge [sflag:s23], $0x1  }
0xa3: {  	[sflag:s23] =	ssyncset.done $0x0  }
0xa4: {  	s25 =	simm.s32 $0x1B8E;
	s24 =	sld [smem:$0x3FFE];
	[sflag:s23] =	ssyncadd.s32 $0xFFFFFFFF  }
0xa5: {  	s26 =	simm.s32 $execute0_lowered;
	[smem:$0x3FD2] =	sst s25  }
0xa6: {  	s4 =	sshll.u32 s26, $0x1;
	_ =	strace $0x80000049;
	[dreg:$0x1] =	wrdreg $0xFFFFFFFF  }
0xa7: {  	s28 =	simm.s32 $_size_execute0_lowered;
	s2 =	sadd.s32 s2, s4;
	[dreg:$0x0] =	wrdreg $0x0  }
0xa8: {  	s4 =	sshll.u32 s28, $0x1;
	[dreg:$0x2] =	wrdreg s2  }
0xa9: {  	[dreg:$0x3] =	wrdreg s4  }
0xaa: {  	[dreg:$0x4] =	wrdreg $0xC0  }
0xab: {  	_ =	task [dreg:s6], $0x5FFFF  }
0xac: {  	[dreg:$0x1] =	wrdreg $0xFFFFFFFF  }
0xad: {  	[dreg:$0x0] =	wrdreg $0x60  }
0xae: {  	[dreg:$0x2] =	wrdreg s24  }
0xaf: {  	[dreg:$0x3] =	wrdreg $0x83000  }
0xb0: {  	[dreg:$0x4] =	wrdreg $0x9  }
0xb1: {  	_ =	task.clear_ibuf [dreg:s6], $0x5FFFF;
	_ =	strace $0x90000049  }
0xb2: {  	s29 =	simm.s32 $0x9;
	_ =	strace $0x8000004B  }
0xb3: {  	_ =	swait.ge [sflag:s29], $0x1  }
0xb4: {  	[sflag:s29] =	ssyncadd.s32 $0xFFFFFFFF  }
0xb5: {  	_ =	strace $0x9000004B  }
0xb6: {  	_ =	sfence  }
0xb7: {  	s30 =	sld [smem:$0x0];
	_ =	sdelay $0x2  }
0xb8: {  	s31 =	sshll.u32 s1, $0xD;
	s1 =	sshrl.u32 s1, $0x2  }
0xb9: {  	s3 =	sand.u32 $0x4000, s31;
	s1 =	sadd.s32 s1, s30  }
0xba: {  	s0 =	sor.u32 s3, s0;
	s1 =	sshll.u32 s1, $0x11  }
0xbb: {  	s0 =	sor.u32 s1, s0  }
0xbc: {  	s0 =	sadd.s32 $0x8F2B, s0  }
0xbd: {  	[sflag:s0] =	ssyncadd.remote.s32 $0x1  }
0xbe: {  	_ =	sfence.sel $0xFFFF  }
0xbf: {  	[dreg:$0x0] =	wrdreg $0xFFFFFFFF;
	(pc) =	sbr.abs _section_cstart, $3  }
0xc0: {  	[dreg:$0x1] =	wrdreg $0xFFFFFFFF  }
0xc1: {  	_ =	task.clear_ibuf [dreg:s6], $0x2FFFF;
	_ =	strace $0x9FFFFFFF  }
0xc2: {  	(tm) =	ssettm $0x7FFFFFFF  }
0xc3: {  	_ =	shalt  }
tec
execute0_lowered:
.L_overlay_start_1:
0x0: {  	(tag) =	ssettag $0x1  }
0x1: {  	s0 =	rddreg [dreg:$0x0]  }
0x2: {  	s1 =	rddreg [dreg:$0x1];
	s2 =	simm.s32 $0x0  }
0x3: {  	s4 =	srdreg.scid;
	s16 =	stileid.u32;
	s18 =	simm.s32 $0x100  }
0x4: {  	s19 =	simm.s32 $0x80;
	s28 =	simm.s32 $0x7;
	s29 =	simm.s32 $0x6  }
0x5: {  	s30 =	simm.s32 $0x4;
	s31 =	simm.s32 $0x200;
	s7 =	smul.u32 $0x4E000, s16  }
0x6: {  	[smem:$0x7FF] =	sst s2;
	s3 =	sadd.s32 $0x17000, s0;
	s9 =	smul.u32 $0x4E20, s16  }
0x7: {  	s5 =	sadd.s32 $0x3400, s0;
	s6 =	sadd.s32 $0xD200, s0;
	s21 =	smul.u32 $0x13800, s16  }
0x8: {  	s4 =	sand.u32 $0x1, s4;
	s0 =	sadd.s32 $0x65200, s0;
	s12 =	smul.u32 $0x2700, s16  }
0x9: {  	s15 =	sadd.s32 $0x124800, s1;
	s25 =	smul.u32 $0x9C4, s16;
	p0 =	seq.s32 s16, $0xF  }
0xa: {  	_ =	strace $0x8000004A;
	s8 =	ssub.s32 $0x2, s4;
	s11 =	smul.u32 $0x27100, s4  }
0xb: {  	s20 =	smul.u32 $0x138800, s4;
	s15 =	sshrl.u32 @p0 s15, $0x3;
	s10 =	sshrl.u32 s8, $0x1  }
0xc: {  	s7 =	sshrl.u32 s7, $0x2;
	s9 =	sshrl.u32 s9, $0x3;
	s14 =	sadd.s32 s25, s5  }
0xd: {  	s8 =	ssub.s32 s8, s10;
	s7 =	sadd.s32 s7, s1;
	s4 =	sadd.s32 s3, s11  }
0xe: {  	s9 =	sadd.s32 $0x9C0, s9;
	s22 =	sshrl.u32 s20, $0x3;
	s10 =	sadd.s32 s21, s20  }
0xf: {  	s20 =	simm.s32 $0x180;
	s21 =	simm.s32 $0x1;
	s13 =	sadd.s32 s5, s9  }
0x10: {  	s3 =	sadd.s32 s3, s22;
	s23 =	sadd.s32 s6, s9;
	s24 =	sshrl.u32 s10, $0x3  }
0x11: {  	s26 =	smax.u32 s8, $0x1;
	s11 =	sadd.s32 s12, s4;
	[dreg:$0x3] =	wrdreg s13  }
0x12: {  	s12 =	sadd.s32 $0x24900, s4;
	s17 =	sshrl.u32 @!p0 s7, $0x3;
	[dreg:$0x4] =	wrdreg s3  }
0x13: {  	s5 =	simm.s32 $0x0;
	[dreg:$0x5] =	wrdreg s23;
	s3 =	sadd.s32 s0, s24  }
0x14: {  	s0 =	sadd.s32 s0, s22;
	[dreg:$0x8] =	wrdreg s26;
	s13 =	sadd.s32 s25, s6  }
0x15: {  	s22 =	simm.s32 $0x300;
	s23 =	simm.s32 $0x2;
	s24 =	simm.s32 $0x4300  }
0x16: {  	s25 =	simm.s32 $0x5;
	[dreg:$0x6] =	wrdreg s3;
	s0 =	sadd.s32 $0x24900, s0  }
0x17: {  	s26 =	simm.s32 $0x3;
	[dreg:$0x7] =	wrdreg s0;
	s0 =	sshll.u32 @!p0 s16, $0x6  }
0x18: {  	s3 =	simm.s32 $0x280;
	s16 =	sor.u32 @!p0 $0x1C07, s0;
	s0 =	simm.s32 $0x20  }
.LBB2_1:
0x19: {  	s6 =	simm.s32 @p0 $0x1FC7  }
0x1a: {  	[spmem:s15], [sflag:s6] =	dma.local @p0 [hbm:s12], $0x2800  }
0x1b: {  	s6 =	simm.s32 @p0 $0x7  }
0x1c: {  	_ =	swait.ge @p0 [sflag:s6], $0x2800  }
0x1d: {  	[sflag:s6] =	ssyncset.done @p0 $0x0  }
0x1e: {  	[sflag:s6] =	ssyncadd.s32 @p0 $0xFFFFD800;
	s6 =	simm.s32 @!p0 $0x7  }
0x1f: {  	[spmem:s17], [sflag:s16] =	dma.local @!p0 [hbm:s11], $0x2700  }
0x20: {  	_ =	swait.ge @!p0 [sflag:s6], $0x2700  }
0x21: {  	[sflag:s6] =	ssyncset.done @!p0 $0x0  }
0x22: {  	[sflag:s6] =	ssyncadd.s32 @!p0 $0xFFFFD900  }
0x23: {  	s9 =	sadd.s32 $0x0, s14;
	[bflag:$0x0] =	sbarrier.arrive $0xFFFF  }
0x24: {  	[tilespmem:s2], [sflag:$0x1] =	stream.linear.gather [hbm4b:s9+s2], $0x80, $0x38;
	[tilespmem:$0x1BB80] =	vst v63  }
0x25: {  	s7 =	sadd.s32 $0x0, s13  }
0x26: {  	[tilespmem:s18], [sflag:$0x3] =	stream.linear.gather [hbm4b:s7+s2], $0x80, $0x38;
	[tilespmem:$0x1BB80] =	vst v63  }
0x27: {  	s6 =	sadd.s32 $0x10, s9  }
0x28: {  	[tilespmem:s19], [sflag:$0x2] =	stream.linear.gather [hbm4b:s6+s2], $0x80, $0x38;
	[tilespmem:$0x1BB80] =	vst v63  }
0x29: {  	s10 =	sadd.s32 $0x10, s7  }
0x2a: {  	[tilespmem:s20], [sflag:$0x4] =	stream.linear.gather [hbm4b:s10+s2], $0x80, $0x38;
	[tilespmem:$0x1BB80] =	vst v63  }
0x2b: {  	_ =	swait.ge [sflag:s21], $0x80  }
0x2c: {  	[sflag:s21] =	ssyncset.done $0x0  }
0x2d: {  	[sflag:s21] =	ssyncadd.s32 $0xFFFFFF80  }
0x2e: {  	[tilespmem:s22], [sflag:$0x5] =	stream.indirect.gather [hbm4b:s4+s19], $0x80, s2, s19, $0xb8;
	[tilespmem:$0x1BB80] =	vst v63  }
0x2f: {  	_ =	swait.ge [sflag:s23], $0x80  }
0x30: {  	[sflag:s23] =	ssyncset.done $0x0  }
0x31: {  	[sflag:s23] =	ssyncadd.s32 $0xFFFFFF80  }
0x32: {  	[tilespmem:s24], [sflag:$0x6] =	stream.indirect.gather [hbm4b:s4+s19], $0x80, s19, s19, $0xb8;
	[tilespmem:$0x1BB80] =	vst v63  }
0x33: {  	_ =	swait.ge [sflag:s25], $0x4000  }
0x34: {  	[sflag:s25] =	ssyncset.done $0x0  }
0x35: {  	[sflag:s25] =	ssyncadd.s32 $0xFFFFC000  }
0x36: {  	_ =	swait.ge [sflag:s26], $0x80  }
0x37: {  	[sflag:s26] =	ssyncset.done $0x0  }
0x38: {  	[sflag:s26] =	ssyncadd.s32 $0xFFFFFF80  }
0x39: {  	[spmem:s1] =	stream.indirect.scatter.add.f32 [tilespmem:s22], [sflag:$0x7], $0x80, s18, s19, $0xb8;
	[tilespmem:$0x1BB80] =	vst v63  }
0x3a: {  	_ =	swait.ge [sflag:s28], $0x4000  }
0x3b: {  	[sflag:s28] =	ssyncset.done $0x0  }
0x3c: {  	[sflag:s28] =	ssyncadd.s32 $0xFFFFC000  }
0x3d: {  	_ =	swait.ge [sflag:s29], $0x4000  }
0x3e: {  	[sflag:s29] =	ssyncset.done $0x0  }
0x3f: {  	[sflag:s29] =	ssyncadd.s32 $0xFFFFC000  }
0x40: {  	_ =	swait.ge [sflag:s30], $0x80  }
0x41: {  	[sflag:s30] =	ssyncset.done $0x0  }
0x42: {  	[sflag:s30] =	ssyncadd.s32 $0xFFFFFF80  }
0x43: {  	[spmem:s1] =	stream.indirect.scatter.add.f32 [tilespmem:s24], [sflag:$0x7], $0x80, s20, s19, $0xb8;
	[tilespmem:$0x1BB80] =	vst v63  }
0x44: {  	_ =	swait.ge [sflag:s28], $0x4000  }
0x45: {  	s7 =	simm.s32 $0x40;
	s6 =	simm.s32 $0x20;
	[sflag:s28] =	ssyncset.done $0x0  }
.LBB2_2:
0x46: {  	s9 =	sadd.s32 s6, s14  }
0x47: {  	[sflag:s28] =	ssyncadd.s32 $0xFFFFC000;
	s10 =	smov.u32 s7;
	s8 =	sadd.s32 $0x20, s7  }
0x48: {  	[tilespmem:s2], [sflag:$0x1] =	stream.linear.gather [hbm4b:s9+s2], $0x80, $0x38;
	[tilespmem:$0x1BB80] =	vst v63  }
0x49: {  	p1 =	sne.s32 s7, $0x9A0;
	s7 =	sadd.s32 s6, s13;
	s6 =	smov.u32 s10  }
0x4a: {  	[tilespmem:s18], [sflag:$0x3] =	stream.linear.gather [hbm4b:s7+s2], $0x80, $0x38;
	[tilespmem:$0x1BB80] =	vst v63  }
0x4b: {  	s9 =	sadd.s32 $0x10, s9  }
0x4c: {  	[tilespmem:s19], [sflag:$0x2] =	stream.linear.gather [hbm4b:s9+s2], $0x80, $0x38;
	[tilespmem:$0x1BB80] =	vst v63  }
0x4d: {  	s7 =	sadd.s32 $0x10, s7  }
0x4e: {  	[tilespmem:s20], [sflag:$0x4] =	stream.linear.gather [hbm4b:s7+s2], $0x80, $0x38;
	[tilespmem:$0x1BB80] =	vst v63  }
0x4f: {  	_ =	swait.ge [sflag:s21], $0x80  }
0x50: {  	[sflag:s21] =	ssyncset.done $0x0  }
0x51: {  	[sflag:s21] =	ssyncadd.s32 $0xFFFFFF80  }
0x52: {  	[tilespmem:s22], [sflag:$0x5] =	stream.indirect.gather [hbm4b:s4+s19], $0x80, s2, s19, $0xb8;
	[tilespmem:$0x1BB80] =	vst v63  }
0x53: {  	_ =	swait.ge [sflag:s23], $0x80  }
0x54: {  	[sflag:s23] =	ssyncset.done $0x0  }
0x55: {  	[sflag:s23] =	ssyncadd.s32 $0xFFFFFF80  }
0x56: {  	[tilespmem:s24], [sflag:$0x6] =	stream.indirect.gather [hbm4b:s4+s19], $0x80, s19, s19, $0xb8;
	[tilespmem:$0x1BB80] =	vst v63  }
0x57: {  	_ =	swait.ge [sflag:s25], $0x4000  }
0x58: {  	[sflag:s25] =	ssyncset.done $0x0  }
0x59: {  	[sflag:s25] =	ssyncadd.s32 $0xFFFFC000  }
0x5a: {  	_ =	swait.ge [sflag:s26], $0x80  }
0x5b: {  	[sflag:s26] =	ssyncset.done $0x0  }
0x5c: {  	[sflag:s26] =	ssyncadd.s32 $0xFFFFFF80  }
0x5d: {  	[spmem:s1] =	stream.indirect.scatter.add.f32 [tilespmem:s22], [sflag:$0x7], $0x80, s18, s19, $0xb8;
	[tilespmem:$0x1BB80] =	vst v63  }
0x5e: {  	_ =	swait.ge [sflag:s28], $0x4000  }
0x5f: {  	[sflag:s28] =	ssyncset.done $0x0  }
0x60: {  	[sflag:s28] =	ssyncadd.s32 $0xFFFFC000  }
0x61: {  	_ =	swait.ge [sflag:s29], $0x4000  }
0x62: {  	[sflag:s29] =	ssyncset.done $0x0  }
0x63: {  	[sflag:s29] =	ssyncadd.s32 $0xFFFFC000  }
0x64: {  	_ =	swait.ge [sflag:s30], $0x80  }
.Ltmp0:
0x65: {  	[sflag:s30] =	ssyncset.done $0x0;
	(pc) =	sbr.rel @p1 .LBB2_2-.Ltmp0, $4  }
0x66: {  	[sflag:s30] =	ssyncadd.s32 $0xFFFFFF80  }
0x67: {  	[spmem:s1] =	stream.indirect.scatter.add.f32 [tilespmem:s24], [sflag:$0x7], $0x80, s20, s19, $0xb8;
	[tilespmem:$0x1BB80] =	vst v63  }
0x68: {  	_ =	swait.ge [sflag:s28], $0x4000  }
0x69: {  	s7 =	smov.u32 s8;
	[sflag:s28] =	ssyncset.done $0x0  }
0x6a: {  	s7 =	sadd.s32 s6, s14;
	[sflag:s28] =	ssyncadd.s32 $0xFFFFC000  }
0x6b: {  	[tilespmem:s2], [sflag:$0x1] =	stream.linear.gather [hbm4b:s7+s2], $0x80, $0x38;
	[tilespmem:$0x1BB80] =	vst v63  }
0x6c: {  	s10 =	sadd.s32 s6, s13  }
0x6d: {  	[tilespmem:s18], [sflag:$0x3] =	stream.linear.gather [hbm4b:s10+s2], $0x80, $0x38;
	[tilespmem:$0x1BB80] =	vst v63  }
0x6e: {  	s7 =	sadd.s32 $0x10, s7  }
0x6f: {  	[tilespmem:s19], [sflag:$0x2] =	stream.linear.gather [hbm4b:s7+s2], $0x80, $0x38;
	[tilespmem:$0x1BB80] =	vst v63  }
0x70: {  	s6 =	sadd.s32 $0x10, s10  }
0x71: {  	[tilespmem:s20], [sflag:$0x4] =	stream.linear.gather [hbm4b:s6+s2], $0x80, $0x38;
	[tilespmem:$0x1BB80] =	vst v63  }
0x72: {  	_ =	swait.ge [sflag:s21], $0x80  }
0x73: {  	[sflag:s21] =	ssyncset.done $0x0  }
0x74: {  	[sflag:s21] =	ssyncadd.s32 $0xFFFFFF80  }
0x75: {  	[tilespmem:s22], [sflag:$0x5] =	stream.indirect.gather [hbm4b:s4+s19], $0x80, s2, s19, $0xb8;
	[tilespmem:$0x1BB80] =	vst v63  }
0x76: {  	_ =	swait.ge [sflag:s23], $0x80  }
0x77: {  	[sflag:s23] =	ssyncset.done $0x0  }
0x78: {  	[sflag:s23] =	ssyncadd.s32 $0xFFFFFF80  }
0x79: {  	[tilespmem:s24], [sflag:$0x6] =	stream.indirect.gather [hbm4b:s4+s19], $0x80, s19, s19, $0xb8;
	[tilespmem:$0x1BB80] =	vst v63  }
0x7a: {  	_ =	swait.ge [sflag:s25], $0x4000  }
0x7b: {  	[sflag:s25] =	ssyncset.done $0x0  }
0x7c: {  	[sflag:s25] =	ssyncadd.s32 $0xFFFFC000  }
0x7d: {  	_ =	swait.ge [sflag:s26], $0x80  }
0x7e: {  	[sflag:s26] =	ssyncset.done $0x0  }
0x7f: {  	[sflag:s26] =	ssyncadd.s32 $0xFFFFFF80  }
0x80: {  	[spmem:s1] =	stream.indirect.scatter.add.f32 [tilespmem:s22], [sflag:$0x7], $0x80, s18, s19, $0xb8;
	[tilespmem:$0x1BB80] =	vst v63  }
0x81: {  	_ =	swait.ge [sflag:s28], $0x4000  }
0x82: {  	[sflag:s28] =	ssyncset.done $0x0  }
0x83: {  	[sflag:s28] =	ssyncadd.s32 $0xFFFFC000  }
0x84: {  	_ =	swait.ge [sflag:s29], $0x4000  }
0x85: {  	[sflag:s29] =	ssyncset.done $0x0  }
0x86: {  	[sflag:s29] =	ssyncadd.s32 $0xFFFFC000  }
0x87: {  	_ =	swait.ge [sflag:s30], $0x80  }
0x88: {  	[sflag:s30] =	ssyncset.done $0x0  }
0x89: {  	[sflag:s30] =	ssyncadd.s32 $0xFFFFFF80  }
0x8a: {  	[spmem:s1] =	stream.indirect.scatter.add.f32 [tilespmem:s24], [sflag:$0x7], $0x80, s20, s19, $0xb8;
	[tilespmem:$0x1BB80] =	vst v63  }
0x8b: {  	_ =	swait.ge [sflag:s28], $0x4000  }
0x8c: {  	[sflag:s28] =	ssyncset.done $0x0  }
0x8d: {  	s7 =	rddreg [dreg:$0x3];
	[sflag:s28] =	ssyncadd.s32 $0xFFFFC000  }
0x8e: {  	[tilespmem:s31], [sflag:$0x7] =	stream.linear.gather [hbm4b:s7+s2], $0x20, $0x38;
	[tilespmem:$0x1BB80] =	vst v63  }
0x8f: {  	_ =	swait.ge [sflag:s28], $0x20  }
0x90: {  	[sflag:s28] =	ssyncset.done $0x0  }
0x91: {  	s8 =	rddreg [dreg:$0x4];
	[sflag:s28] =	ssyncadd.s32 $0xFFFFFFE0  }
0x92: {  	[tilespmem:s22], [sflag:$0x5] =	stream.indirect.gather [hbm4b:s8+s0], $0x80, s31, s0, $0xb8;
	[tilespmem:$0x1BB80] =	vst v63  }
0x93: {  	_ =	swait.ge [sflag:s25], $0x1000  }
0x94: {  	[sflag:s25] =	ssyncset.done $0x0  }
0x95: {  	s9 =	rddreg [dreg:$0x5];
	[sflag:s25] =	ssyncadd.s32 $0xFFFFF000  }
0x96: {  	[tilespmem:s3], [sflag:$0x7] =	stream.linear.gather [hbm4b:s9+s2], $0x20, $0x38;
	[tilespmem:$0x1BB80] =	vst v63  }
0x97: {  	_ =	swait.ge [sflag:s28], $0x20  }
0x98: {  	[sflag:s28] =	ssyncset.done $0x0  }
0x99: {  	[sflag:s28] =	ssyncadd.s32 $0xFFFFFFE0  }
0x9a: {  	[spmem:s1] =	stream.indirect.scatter.add.f32 [tilespmem:s22], [sflag:$0x7], $0x80, s3, s0, $0xb8;
	[tilespmem:$0x1BB80] =	vst v63  }
0x9b: {  	_ =	swait.ge [sflag:s28], $0x1000  }
0x9c: {  	[sflag:s28] =	ssyncset.done $0x0  }
0x9d: {  	[sflag:s28] =	ssyncadd.s32 $0xFFFFF000  }
0x9e: {  	[bflag:$0x0] =	sbarrier.arrive $0xFFFF  }
0x9f: {  	s6 =	simm.s32 @p0 $0x1FC7;
	s7 =	rddreg [dreg:$0x7]  }
0xa0: {  	[hbm:s7], [sflag:s6] =	dma.local @p0 [spmem:s15], $0x2800  }
0xa1: {  	s6 =	simm.s32 @p0 $0x7  }
0xa2: {  	_ =	swait.ge @p0 [sflag:s6], $0x2800  }
0xa3: {  	[sflag:s6] =	ssyncset.done @p0 $0x0  }
0xa4: {  	[sflag:s6] =	ssyncadd.s32 @p0 $0xFFFFD800;
	s6 =	rddreg [dreg:$0x6]  }
0xa5: {  	[hbm:s6], [sflag:s16] =	dma.local @!p0 [spmem:s17], $0x2700  }
0xa6: {  	s6 =	simm.s32 @!p0 $0x7  }
0xa7: {  	_ =	swait.ge @!p0 [sflag:s6], $0x2700  }
0xa8: {  	s5 =	sadd.s32 $0x1, s5;
	s10 =	rddreg [dreg:$0x8]  }
0xa9: {  	p1 =	sne.s32 s5, s10  }
.Ltmp1:
0xaa: {  	_ = 	snop;
	(pc) =	sbr.rel @p1 .LBB2_1-.Ltmp1, $3  }
0xab: {  	_ =	sdelay $0x1  }
0xac: {  	[sflag:s6] =	ssyncset.done @!p0 $0x0  }
0xad: {  	[sflag:s6] =	ssyncadd.s32 @!p0 $0xFFFFD900  }
0xae: {  	_ =	sfence.sel $0x180000  }
0xaf: {  	[bflag:$0x0] =	sbarrier.arrive $0xFFFF  }
0xb0: {  	_ =	strace $0x9000004A  }
0xb1: {  	s0 =	stileid.u32;
	[bflag:$0x2] =	sbarrier.arrive $0xFFFF  }
0xb2: {  	p0 =	sne.s32 s0, $0x0;
	s0 =	rddreg [dreg:$0x2]  }
0xb3: {  	s0 =	sadd.s32 @!p0 $0x100000, s0  }
0xb4: {  	[sflag:s0] =	ssyncadd.tile.s32 @!p0 $0x1;
	_ =	shalt  }
.Lfunc_end2:
_tile_overlayer_lowered:
.L_overlay_start_2:
0xb5: {  	(tag) =	ssettag $0x2  }
0xb6: {  	s0 =	rddreg [dreg:$0x0];
	s2 =	stileid.u32  }
0xb7: {  	s1 =	rddreg [dreg:$0x1];
	p0 =	sne.s32 s2, $0x0  }
0xb8: {  	s3 =	rddreg [dreg:$0x2];
	[bflag:$0x3] =	sbarrier.arrive $0xFFFF;
	s2 =	simm.s32 @!p0 $0x1C07  }
0xb9: {  	[timem:s3], [sflag:s2] =	dma.local @!p0 [hbm:s0], s1  }
0xba: {  	s0 =	simm.s32 @!p0 $0x7  }
0xbb: {  	_ =	swait.ge @!p0 [sflag:s0], s1  }
0xbc: {  	s1 =	ssub.s32 @!p0 $0x0, s1;
	[sflag:s0] =	ssyncset.done @!p0 $0x0  }
0xbd: {  	[sflag:s0] =	ssyncadd.s32 @!p0 s1  }
0xbe: {  	[bflag:$0x3] =	sbarrier.arrive $0xFFFF  }
0xbf: {  	_ =	shalt  }

// kernel: kernel.15.cloned.1.call-start
scs
__scs_entry_jumppad:
0x0: {  	(pc) =	sbr.rel $0x88, $3  }
0x1: {  	(tag) =	ssettag $0x0;
	lr =	simm.s32 $0x1  }
0x2: {  	[smem:$0x3F91] =	sst lr;
	_ =	strace $0xD0000000  }
0x3: {  	_ = 	snop  }
0x4: {  	_ = 	snop  }
0x5: {  	_ = 	snop  }
0x6: {  	_ = 	snop  }
0x7: {  	_ = 	snop  }
__scs_overlays_trampoline_lowered:
0x8: {  	[smem:$0x3FA0] =	sst s0  }
0x9: {  	[smem:$0x3FA1] =	sst s1  }
0xa: {  	[smem:$0x3FA2] =	sst s2  }
0xb: {  	[smem:$0x3FA3] =	sst s3  }
0xc: {  	[smem:$0x3FA4] =	sst s4  }
0xd: {  	[smem:$0x3FA5] =	sst s5  }
0xe: {  	[smem:$0x3FA6] =	sst s6  }
0xf: {  	[smem:$0x3FA7] =	sst s7  }
0x10: {  	[smem:$0x3FA8] =	sst s8  }
0x11: {  	[smem:$0x3FA9] =	sst s9;
	s0 =	simm.s32 @!p0 $0x0  }
0x12: {  	s1 =	sld [smem:$0x3F8F];
	s0 =	simm.s32 @p0 $0x1  }
0x13: {  	[smem:$0x3FAA] =	sst s0;
	s0 =	simm.s32 @!p1 $0x0  }
0x14: {  	s2 =	sld [smem:$0x3F8E];
	s0 =	simm.s32 @p1 $0x1  }
0x15: {  	[smem:$0x3FAB] =	sst s0;
	s0 =	simm.s32 @!p2 $0x0  }
0x16: {  	s3 =	sld [smem:$0x3FDB];
	s0 =	simm.s32 @p2 $0x1  }
0x17: {  	s4 =	simm.s32 $0x1BF5;
	[smem:$0x3FAD] =	sst s0  }
0x18: {  	s0 =	sld [smem:$0x3F90];
	_ =	swait.ge [sflag:s4], $0x0  }
0x19: {  	s7 =	sld [smem:$0x3F91]  }
0x1a: {  	s8 =	sadd.s32 $0xFFFFE003, lr  }
0x1b: {  	s9 =	sadd.s32 $0xFFFFFEF7, lr;
	s5 =	simm.s32 $0xFFFFFFFF;
	p2 =	slt.u32 s8, $0xFFFFF086  }
0x1c: {  	p1 =	slt.u32 s9, $0xF7A;
	s5 =	simm.s32 @!p2 $0x0  }
0x1d: {  	s5 =	simm.s32 @p1 $0x1;
	p0 =	seq.s32 s7, s2  }
0x1e: {  	s7 =	smul.u32 @!p0 $0xF7A, s2;
	p2 =	seq.s32 @!p0 s5, $0x0  }
0x1f: {  	s9 =	smul.u32 $0xF7A, s1;
	s8 =	simm.s32 @!p0 $0x1BF5;
	p2 =	por !p2, p0  }
0x20: {  	[sflag:s8] =	ssyncset.s32 @!p0 $0xFFFFF086;
	s6 =	sadd.s32 @!p0 s3, s7;
	s7 =	simm.s32 @!p0 $0x108  }
0x21: {  	s3 =	sadd.s32 s3, s9;
	s6 =	sadd.s32 @!p0 $0x88, s6;
	s7 =	simm.s32 @p2 $0x1082  }
0x22: {  	[simem:s7], [sflag:s8] =	dma.local @!p0 [hbm:s6], $0xF7A  }
0x23: {  	s9 =	sor.u32 $0xD0000000, s2;
	s6 =	simm.s32 $0x108;
	_ =	swait.ge @!p0 [sflag:s8], $0x0  }
0x24: {  	s3 =	sadd.s32 $0x88, s3;
	s6 =	simm.s32 @!p1 $0x1082;
	[sflag:s4] =	ssyncset.s32 $0xFFFFF086  }
0x25: {  	[simem:s6], [sflag:s4] =	dma.local [hbm:s3], $0xF7A  }
0x26: {  	[smem:$0x3F91] =	sst s1;
	(tag) =	ssettag s2;
	_ =	strace s9  }
0x27: {  	s1 =	sld [smem:$0x3FA1]  }
0x28: {  	s2 =	sld [smem:$0x3FA2]  }
0x29: {  	s4 =	sld [smem:$0x3FA4]  }
0x2a: {  	p0 =	seq.s32 s5, $0x0;
	s5 =	sld [smem:$0x3FA5]  }
0x2b: {  	s6 =	sld [smem:$0x3FA6]  }
0x2c: {  	s7 =	sld [smem:$0x3FA7]  }
0x2d: {  	s3 =	simm.s32 $0x108;
	s8 =	sld [smem:$0x3FA8]  }
0x2e: {  	s3 =	simm.s32 @!p0 $0x1082;
	s9 =	sld [smem:$0x3FA9]  }
0x2f: {  	lr =	sadd.s32 s0, s3;
	s0 =	sld [smem:$0x3FA0]  }
0x30: {  	s3 =	sld [smem:$0x3FA3]  }
0x31: {  	[smem:$0x3FAC] =	sst s10  }
0x32: {  	s10 =	sld [smem:$0x3FAA];
	_ =	sdelay $0x3  }
0x33: {  	p0 =	seq.s32 s10, $0x1;
	s10 =	sld [smem:$0x3FAC];
	_ =	sdelay $0x3  }
0x34: {  	[smem:$0x3FAC] =	sst s10  }
0x35: {  	s10 =	sld [smem:$0x3FAB];
	_ =	sdelay $0x3  }
0x36: {  	p1 =	seq.s32 s10, $0x1;
	s10 =	sld [smem:$0x3FAC];
	_ =	sdelay $0x3  }
0x37: {  	[smem:$0x3FAC] =	sst s10  }
0x38: {  	s10 =	sld [smem:$0x3FAD]  }
0x39: {  	_ = 	snop;
	(pc) =	sbr.ind lr, $3  }
0x3a: {  	_ = 	snop  }
0x3b: {  	_ = 	snop  }
0x3c: {  	p2 =	seq.s32 s10, $0x1;
	s10 =	sld [smem:$0x3FAC]  }
0x3d: {  	_ =	shalt  }
0x3e: {  	_ =	shalt  }
0x3f: {  	_ =	shalt  }
0x40: {  	_ =	shalt  }
0x41: {  	_ =	shalt  }
0x42: {  	_ =	shalt  }
0x43: {  	_ =	shalt  }
0x44: {  	_ =	shalt  }
0x45: {  	_ =	shalt  }
0x46: {  	_ =	shalt  }
0x47: {  	_ =	shalt  }
0x48: {  	_ =	shalt  }
0x49: {  	_ =	shalt  }
0x4a: {  	_ =	shalt  }
0x4b: {  	_ =	shalt  }
0x4c: {  	_ =	shalt  }
0x4d: {  	_ =	shalt  }
0x4e: {  	_ =	shalt  }
0x4f: {  	_ =	shalt  }
0x50: {  	_ =	shalt  }
0x51: {  	_ =	shalt  }
0x52: {  	_ =	shalt  }
0x53: {  	_ =	shalt  }
0x54: {  	_ =	shalt  }
0x55: {  	_ =	shalt  }
0x56: {  	_ =	shalt  }
0x57: {  	_ =	shalt  }
0x58: {  	_ =	shalt  }
0x59: {  	_ =	shalt  }
0x5a: {  	_ =	shalt  }
0x5b: {  	_ =	shalt  }
0x5c: {  	_ =	shalt  }
0x5d: {  	_ =	shalt  }
0x5e: {  	_ =	shalt  }
0x5f: {  	_ =	shalt  }
0x60: {  	_ =	shalt  }
0x61: {  	_ =	shalt  }
0x62: {  	_ =	shalt  }
0x63: {  	_ =	shalt  }
0x64: {  	_ =	shalt  }
0x65: {  	_ =	shalt  }
0x66: {  	_ =	shalt  }
0x67: {  	_ =	shalt  }
0x68: {  	_ =	shalt  }
0x69: {  	_ =	shalt  }
0x6a: {  	_ =	shalt  }
0x6b: {  	_ =	shalt  }
0x6c: {  	_ =	shalt  }
0x6d: {  	_ =	shalt  }
0x6e: {  	_ =	shalt  }
0x6f: {  	_ =	shalt  }
0x70: {  	_ =	shalt  }
0x71: {  	_ =	shalt  }
0x72: {  	_ =	shalt  }
0x73: {  	_ =	shalt  }
0x74: {  	_ =	shalt  }
0x75: {  	_ =	shalt  }
0x76: {  	_ =	shalt  }
0x77: {  	_ =	shalt  }
0x78: {  	_ =	shalt  }
0x79: {  	_ =	shalt  }
0x7a: {  	_ =	shalt  }
0x7b: {  	_ =	shalt  }
0x7c: {  	_ =	shalt  }
0x7d: {  	_ =	shalt  }
0x7e: {  	_ =	shalt  }
0x7f: {  	_ =	shalt  }
0x80: {  	_ =	shalt  }
0x81: {  	_ =	shalt  }
0x82: {  	_ =	shalt  }
0x83: {  	_ =	shalt  }
0x84: {  	_ =	shalt  }
0x85: {  	_ =	shalt  }
0x86: {  	_ =	shalt  }
0x87: {  	_ =	shalt  }
.Lfunc_end0:
.L_simem_size_0:
called_computation.2_lowered:
.L_overlay_start_0:
0x88: {  	s2 =	sld [smem:$0x3FD9]  }
0x89: {  	s3 =	sld [smem:$0x3FFE];
	_ =	sdelay $0x1  }
0x8a: {  	s1 =	srdreg.scid  }
0x8b: {  	s0 =	sand.u32 $0x1, s1  }
0x8c: {  	s17 =	sshll.u32 s0, $0xA;
	s2 =	sadd.s32 s3, s2  }
0x8d: {  	s2 =	sadd.s32 s2, s17  }
0x8e: {  	[smem:$0x3FB8] =	sst s2  }
0x8f: {  	_ = 	snop  }
0x90: {  	s2 =	sld [smem:$0x3FD0];
	(tm) =	ssettm $0x1  }
0x91: {  	s18 =	sld [smem:$0x3FFB];
	_ =	sdelay $0x3  }
0x92: {  	_ =	strace s18  }
0x93: {  	s3 =	sld [smem:$0x3FFC];
	_ =	sdelay $0x3  }
0x94: {  	_ =	strace s3  }
0x95: {  	s3 =	sld [smem:$0x3FFD];
	_ =	sdelay $0x3  }
0x96: {  	_ =	strace s3  }
0x97: {  	_ =	strace $0x8FFFFFFF  }
0x98: {  	s19 =	sld [smem:$0x3FDB];
	_ =	sdelay $0x1  }
0x99: {  	s4 =	simm.s32 $_scs_section_size  }
0x9a: {  	s5 =	simm.s32 $_size__tile_overlayer_lowered;
	s6 =	simm.s32 $_tile_overlayer_lowered  }
0x9b: {  	s22 =	simm.s32 $0x1BFF;
	s21 =	sshll.u32 s6, $0x1;
	s3 =	sadd.s32 s4, s19  }
0x9c: {  	s7 =	simm.s32 $0x0;
	s20 =	sshll.u32 s5, $0x1;
	s5 =	sadd.s32 s21, s3  }
0x9d: {  	[timem:s7], [sflag:s22] =	dma.local [hbm:s5], s20  }
0x9e: {  	_ =	swait.ge [sflag:s22], s20  }
0x9f: {  	s4 =	ssub.s32 $0x0, s20;
	[sflag:s22] =	ssyncset.done $0x0  }
0xa0: {  	[sflag:s22] =	ssyncadd.s32 s4;
	_ =	sdelay $0x1  }
0xa1: {  	s23 =	simm.s32 $0x1B8B  }
0xa2: {  	_ =	swait.ge [sflag:s23], $0x1  }
0xa3: {  	[sflag:s23] =	ssyncset.done $0x0  }
0xa4: {  	s25 =	simm.s32 $0x1B8E;
	s24 =	sld [smem:$0x3FFE];
	[sflag:s23] =	ssyncadd.s32 $0xFFFFFFFF  }
0xa5: {  	s26 =	simm.s32 $execute0_lowered;
	[smem:$0x3FD2] =	sst s25  }
0xa6: {  	s5 =	sshll.u32 s26, $0x1;
	_ =	strace $0x8000004C;
	[dreg:$0x1] =	wrdreg $0xFFFFFFFF  }
0xa7: {  	s28 =	simm.s32 $_size_execute0_lowered;
	s3 =	sadd.s32 s3, s5;
	[dreg:$0x0] =	wrdreg $0x0  }
0xa8: {  	s5 =	sshll.u32 s28, $0x1;
	[dreg:$0x2] =	wrdreg s3  }
0xa9: {  	[dreg:$0x3] =	wrdreg s5  }
0xaa: {  	[dreg:$0x4] =	wrdreg $0xC0  }
0xab: {  	_ =	task [dreg:s7], $0x5FFFF  }
0xac: {  	[dreg:$0x1] =	wrdreg $0xFFFFFFFF  }
0xad: {  	[dreg:$0x0] =	wrdreg $0x60  }
0xae: {  	[dreg:$0x2] =	wrdreg s2  }
0xaf: {  	[dreg:$0x3] =	wrdreg s24  }
0xb0: {  	[dreg:$0x4] =	wrdreg $0x83000  }
0xb1: {  	[dreg:$0x5] =	wrdreg $0x9  }
0xb2: {  	_ =	task.clear_ibuf [dreg:s7], $0x6FFFF;
	_ =	strace $0x9000004C  }
0xb3: {  	s29 =	simm.s32 $0x9;
	_ =	strace $0x8000004E  }
0xb4: {  	_ =	swait.ge [sflag:s29], $0x1  }
0xb5: {  	[sflag:s29] =	ssyncadd.s32 $0xFFFFFFFF  }
0xb6: {  	_ =	strace $0x9000004E  }
0xb7: {  	_ =	sfence  }
0xb8: {  	s30 =	sld [smem:$0x0];
	_ =	sdelay $0x2  }
0xb9: {  	s31 =	sshll.u32 s1, $0xD;
	s1 =	sshrl.u32 s1, $0x2  }
0xba: {  	s3 =	sand.u32 $0x4000, s31;
	s1 =	sadd.s32 s1, s30  }
0xbb: {  	s0 =	sor.u32 s3, s0;
	s1 =	sshll.u32 s1, $0x11  }
0xbc: {  	s0 =	sor.u32 s1, s0  }
0xbd: {  	s0 =	sadd.s32 $0x8F2B, s0  }
0xbe: {  	[sflag:s0] =	ssyncadd.remote.s32 $0x1  }
0xbf: {  	_ =	sfence.sel $0xFFFF  }
0xc0: {  	[dreg:$0x0] =	wrdreg $0xFFFFFFFF;
	(pc) =	sbr.abs _section_cstart, $3  }
0xc1: {  	[dreg:$0x1] =	wrdreg $0xFFFFFFFF  }
0xc2: {  	_ =	task.clear_ibuf [dreg:s7], $0x2FFFF;
	_ =	strace $0x9FFFFFFF  }
0xc3: {  	(tm) =	ssettm $0x7FFFFFFF  }
tec
execute0_lowered:
.L_overlay_start_1:
0x0: {  	(tag) =	ssettag $0x1  }
0x1: {  	s1 =	rddreg [dreg:$0x0]  }
0x2: {  	s0 =	rddreg [dreg:$0x1]  }
0x3: {  	s2 =	rddreg [dreg:$0x2];
	s3 =	simm.s32 $0x0  }
0x4: {  	s4 =	srdreg.scid;
	s12 =	stileid.u32;
	s28 =	simm.s32 $0x3  }
0x5: {  	s29 =	simm.s32 $0x7;
	s30 =	simm.s32 $0x6;
	s31 =	simm.s32 $0x4  }
0x6: {  	[smem:$0x7FF] =	sst s3;
	s4 =	sand.u32 $0x1, s4;
	s8 =	smul.u32 $0x4E000, s12  }
0x7: {  	s5 =	sadd.s32 $0x3400, s0;
	s7 =	sadd.s32 $0xD200, s0;
	s11 =	smul.u32 $0x2700, s12  }
0x8: {  	s0 =	sadd.s32 $0x17000, s0;
	s18 =	smul.u32 $0x13800, s12;
	s19 =	sadd.s32 $0x24900, s1  }
0x9: {  	s21 =	smul.u32 $0x2710, s12;
	p0 =	seq.s32 s12, $0xF;
	_ =	strace $0x8000004D  }
0xa: {  	s6 =	sshll.u32 s4, $0x4;
	s9 =	ssub.s32 $0x2, s4;
	s16 =	smul.u32 $0x138800, s4  }
0xb: {  	s4 =	smul.u32 $0x27100, s4;
	[dreg:$0x6] =	wrdreg s19;
	s19 =	simm.s32 $0x100  }
0xc: {  	s6 =	sor.u32 s12, s6;
	s10 =	sshrl.u32 s9, $0x1;
	s8 =	sshrl.u32 s8, $0x2  }
0xd: {  	s17 =	sadd.s32 s1, s11;
	s6 =	smul.u32 $0x2710, s6;
	s9 =	ssub.s32 s9, s10  }
0xe: {  	s8 =	sadd.s32 s8, s2;
	[dreg:$0x5] =	wrdreg s17;
	s17 =	sadd.s32 $0x124800, s2  }
0xf: {  	s22 =	sadd.s32 s18, s16;
	s4 =	sadd.s32 s21, s4;
	s21 =	simm.s32 $0x180  }
0x10: {  	[dreg:$0x4] =	wrdreg s8;
	s8 =	sshrl.u32 s16, $0x3;
	s24 =	sshrl.u32 s4, $0x3  }
0x11: {  	s25 =	smax.u32 s9, $0x1;
	s4 =	sadd.s32 $0x80, s4;
	s17 =	sshrl.u32 @p0 s17, $0x3  }
0x12: {  	s6 =	sshrl.u32 s6, $0x3;
	s8 =	sadd.s32 s0, s8;
	[dreg:$0xb] =	wrdreg s25  }
0x13: {  	s13 =	sadd.s32 s24, s7;
	s14 =	sadd.s32 s24, s5;
	s26 =	sshrl.u32 s4, $0x3  }
0x14: {  	s24 =	simm.s32 $0x2;
	s25 =	simm.s32 $0x4300;
	s4 =	simm.s32 $0x10  }
0x15: {  	s6 =	sadd.s32 $0x4E0, s6;
	s23 =	sadd.s32 $0x24900, s8;
	s15 =	sadd.s32 s26, s7  }
0x16: {  	s16 =	sadd.s32 s26, s5;
	s26 =	simm.s32 $0x5;
	s20 =	sadd.s32 s5, s6  }
0x17: {  	s6 =	sadd.s32 s7, s6;
	[dreg:$0xa] =	wrdreg s23;
	s23 =	simm.s32 $0x300  }
0x18: {  	s5 =	simm.s32 $0x280;
	[dreg:$0x8] =	wrdreg s6;
	s6 =	sshrl.u32 s22, $0x3  }
0x19: {  	[dreg:$0x7] =	wrdreg s20;
	s20 =	simm.s32 $0x80;
	s0 =	sadd.s32 s0, s6  }
0x1a: {  	s22 =	simm.s32 $0x1;
	[dreg:$0x9] =	wrdreg s0;
	s0 =	sshll.u32 @!p0 s12, $0x6  }
0x1b: {  	s6 =	simm.s32 $0x0;
	s18 =	sor.u32 @!p0 $0x1C07, s0;
	s0 =	simm.s32 $0x200  }
.LBB2_1:
0x1c: {  	s7 =	simm.s32 @p0 $0x1FC7;
	s8 =	rddreg [dreg:$0x6]  }
0x1d: {  	[spmem:s17], [sflag:s7] =	dma.local @p0 [hbm:s8], $0x2800  }
0x1e: {  	s7 =	simm.s32 @p0 $0x7  }
0x1f: {  	_ =	swait.ge @p0 [sflag:s7], $0x2800  }
0x20: {  	[sflag:s7] =	ssyncset.done @p0 $0x0  }
0x21: {  	[sflag:s7] =	ssyncadd.s32 @p0 $0xFFFFD800;
	s7 =	rddreg [dreg:$0x4]  }
0x22: {  	s8 =	rddreg [dreg:$0x5];
	s7 =	sshrl.u32 @!p0 s7, $0x3  }
0x23: {  	[spmem:s7], [sflag:s18] =	dma.local @!p0 [hbm:s8], $0x2700  }
0x24: {  	s8 =	simm.s32 @!p0 $0x7  }
0x25: {  	_ =	swait.ge @!p0 [sflag:s8], $0x2700  }
0x26: {  	[sflag:s8] =	ssyncset.done @!p0 $0x0  }
0x27: {  	[sflag:s8] =	ssyncadd.s32 @!p0 $0xFFFFD900  }
0x28: {  	s9 =	sadd.s32 $0x0, s14;
	[bflag:$0x0] =	sbarrier.arrive $0xFFFF  }
0x29: {  	[tilespmem:s3], [sflag:$0x1] =	stream.linear.gather [hbm4b:s9+s3], $0x80, $0x38;
	[tilespmem:$0x1BB80] =	vst v63  }
0x2a: {  	s10 =	sadd.s32 $0x0, s13  }
0x2b: {  	[tilespmem:s19], [sflag:$0x3] =	stream.linear.gather [hbm4b:s10+s3], $0x80, $0x38;
	[tilespmem:$0x1BB80] =	vst v63  }
0x2c: {  	s11 =	sadd.s32 $0x0, s16  }
0x2d: {  	[tilespmem:s20], [sflag:$0x2] =	stream.linear.gather [hbm4b:s11+s3], $0x80, $0x38;
	[tilespmem:$0x1BB80] =	vst v63  }
0x2e: {  	s12 =	sadd.s32 $0x0, s15  }
0x2f: {  	[tilespmem:s21], [sflag:$0x4] =	stream.linear.gather [hbm4b:s12+s3], $0x80, $0x38;
	[tilespmem:$0x1BB80] =	vst v63  }
0x30: {  	_ =	swait.ge [sflag:s22], $0x80  }
0x31: {  	[sflag:s22] =	ssyncset.done $0x0  }
0x32: {  	[sflag:s22] =	ssyncadd.s32 $0xFFFFFF80  }
0x33: {  	[tilespmem:s23], [sflag:$0x5] =	stream.indirect.gather [hbm4b:s1+s20], $0x80, s3, s20, $0xb8;
	[tilespmem:$0x1BB80] =	vst v63  }
0x34: {  	_ =	swait.ge [sflag:s24], $0x80  }
0x35: {  	[sflag:s24] =	ssyncset.done $0x0  }
0x36: {  	[sflag:s24] =	ssyncadd.s32 $0xFFFFFF80  }
0x37: {  	[tilespmem:s25], [sflag:$0x6] =	stream.indirect.gather [hbm4b:s1+s20], $0x80, s20, s20, $0xb8;
	[tilespmem:$0x1BB80] =	vst v63  }
0x38: {  	_ =	swait.ge [sflag:s26], $0x4000  }
0x39: {  	[sflag:s26] =	ssyncset.done $0x0  }
0x3a: {  	[sflag:s26] =	ssyncadd.s32 $0xFFFFC000  }
0x3b: {  	_ =	swait.ge [sflag:s28], $0x80  }
0x3c: {  	[sflag:s28] =	ssyncset.done $0x0  }
0x3d: {  	[sflag:s28] =	ssyncadd.s32 $0xFFFFFF80  }
0x3e: {  	[spmem:s2] =	stream.indirect.scatter.add.f32 [tilespmem:s23], [sflag:$0x7], $0x80, s19, s20, $0xb8;
	[tilespmem:$0x1BB80] =	vst v63  }
0x3f: {  	_ =	swait.ge [sflag:s29], $0x4000  }
0x40: {  	[sflag:s29] =	ssyncset.done $0x0  }
0x41: {  	[sflag:s29] =	ssyncadd.s32 $0xFFFFC000  }
0x42: {  	_ =	swait.ge [sflag:s30], $0x4000  }
0x43: {  	[sflag:s30] =	ssyncset.done $0x0  }
0x44: {  	[sflag:s30] =	ssyncadd.s32 $0xFFFFC000  }
0x45: {  	_ =	swait.ge [sflag:s31], $0x80  }
0x46: {  	[sflag:s31] =	ssyncset.done $0x0  }
0x47: {  	[sflag:s31] =	ssyncadd.s32 $0xFFFFFF80  }
0x48: {  	[spmem:s2] =	stream.indirect.scatter.add.f32 [tilespmem:s25], [sflag:$0x7], $0x80, s21, s20, $0xb8;
	[tilespmem:$0x1BB80] =	vst v63  }
0x49: {  	_ =	swait.ge [sflag:s29], $0x4000  }
0x4a: {  	s8 =	simm.s32 $0x20;
	s9 =	simm.s32 $0x40;
	[sflag:s29] =	ssyncset.done $0x0  }
.LBB2_2:
0x4b: {  	s11 =	sadd.s32 s8, s14  }
0x4c: {  	[sflag:s29] =	ssyncadd.s32 $0xFFFFC000;
	s12 =	smov.u32 s9;
	s10 =	sadd.s32 $0x20, s9  }
0x4d: {  	[tilespmem:s3], [sflag:$0x1] =	stream.linear.gather [hbm4b:s11+s3], $0x80, $0x38;
	[tilespmem:$0x1BB80] =	vst v63  }
0x4e: {  	p1 =	sne.s32 s9, $0x4C0;
	s9 =	sadd.s32 s8, s13  }
0x4f: {  	[tilespmem:s19], [sflag:$0x3] =	stream.linear.gather [hbm4b:s9+s3], $0x80, $0x38;
	[tilespmem:$0x1BB80] =	vst v63  }
0x50: {  	s9 =	sadd.s32 s8, s16  }
0x51: {  	[tilespmem:s20], [sflag:$0x2] =	stream.linear.gather [hbm4b:s9+s3], $0x80, $0x38;
	[tilespmem:$0x1BB80] =	vst v63  }
0x52: {  	s9 =	sadd.s32 s8, s15;
	s8 =	smov.u32 s12  }
0x53: {  	[tilespmem:s21], [sflag:$0x4] =	stream.linear.gather [hbm4b:s9+s3], $0x80, $0x38;
	[tilespmem:$0x1BB80] =	vst v63  }
0x54: {  	_ =	swait.ge [sflag:s22], $0x80  }
0x55: {  	[sflag:s22] =	ssyncset.done $0x0  }
0x56: {  	[sflag:s22] =	ssyncadd.s32 $0xFFFFFF80  }
0x57: {  	[tilespmem:s23], [sflag:$0x5] =	stream.indirect.gather [hbm4b:s1+s20], $0x80, s3, s20, $0xb8;
	[tilespmem:$0x1BB80] =	vst v63  }
0x58: {  	_ =	swait.ge [sflag:s24], $0x80  }
0x59: {  	[sflag:s24] =	ssyncset.done $0x0  }
0x5a: {  	[sflag:s24] =	ssyncadd.s32 $0xFFFFFF80  }
0x5b: {  	[tilespmem:s25], [sflag:$0x6] =	stream.indirect.gather [hbm4b:s1+s20], $0x80, s20, s20, $0xb8;
	[tilespmem:$0x1BB80] =	vst v63  }
0x5c: {  	_ =	swait.ge [sflag:s26], $0x4000  }
0x5d: {  	[sflag:s26] =	ssyncset.done $0x0  }
0x5e: {  	[sflag:s26] =	ssyncadd.s32 $0xFFFFC000  }
0x5f: {  	_ =	swait.ge [sflag:s28], $0x80  }
0x60: {  	[sflag:s28] =	ssyncset.done $0x0  }
0x61: {  	[sflag:s28] =	ssyncadd.s32 $0xFFFFFF80  }
0x62: {  	[spmem:s2] =	stream.indirect.scatter.add.f32 [tilespmem:s23], [sflag:$0x7], $0x80, s19, s20, $0xb8;
	[tilespmem:$0x1BB80] =	vst v63  }
0x63: {  	_ =	swait.ge [sflag:s29], $0x4000  }
0x64: {  	[sflag:s29] =	ssyncset.done $0x0  }
0x65: {  	[sflag:s29] =	ssyncadd.s32 $0xFFFFC000  }
0x66: {  	_ =	swait.ge [sflag:s30], $0x4000  }
0x67: {  	[sflag:s30] =	ssyncset.done $0x0  }
0x68: {  	[sflag:s30] =	ssyncadd.s32 $0xFFFFC000  }
0x69: {  	_ =	swait.ge [sflag:s31], $0x80  }
.Ltmp0:
0x6a: {  	[sflag:s31] =	ssyncset.done $0x0;
	(pc) =	sbr.rel @p1 .LBB2_2-.Ltmp0, $4  }
0x6b: {  	[sflag:s31] =	ssyncadd.s32 $0xFFFFFF80  }
0x6c: {  	[spmem:s2] =	stream.indirect.scatter.add.f32 [tilespmem:s25], [sflag:$0x7], $0x80, s21, s20, $0xb8;
	[tilespmem:$0x1BB80] =	vst v63  }
0x6d: {  	_ =	swait.ge [sflag:s29], $0x4000  }
0x6e: {  	s9 =	smov.u32 s10;
	[sflag:s29] =	ssyncset.done $0x0  }
0x6f: {  	s9 =	sadd.s32 s8, s14;
	[sflag:s29] =	ssyncadd.s32 $0xFFFFC000  }
0x70: {  	[tilespmem:s3], [sflag:$0x1] =	stream.linear.gather [hbm4b:s9+s3], $0x80, $0x38;
	[tilespmem:$0x1BB80] =	vst v63  }
0x71: {  	s11 =	sadd.s32 s8, s13  }
0x72: {  	[tilespmem:s19], [sflag:$0x3] =	stream.linear.gather [hbm4b:s11+s3], $0x80, $0x38;
	[tilespmem:$0x1BB80] =	vst v63  }
0x73: {  	s12 =	sadd.s32 s8, s16  }
0x74: {  	[tilespmem:s20], [sflag:$0x2] =	stream.linear.gather [hbm4b:s12+s3], $0x80, $0x38;
	[tilespmem:$0x1BB80] =	vst v63  }
0x75: {  	s9 =	sadd.s32 s8, s15  }
0x76: {  	[tilespmem:s21], [sflag:$0x4] =	stream.linear.gather [hbm4b:s9+s3], $0x80, $0x38;
	[tilespmem:$0x1BB80] =	vst v63  }
0x77: {  	_ =	swait.ge [sflag:s22], $0x80  }
0x78: {  	[sflag:s22] =	ssyncset.done $0x0  }
0x79: {  	[sflag:s22] =	ssyncadd.s32 $0xFFFFFF80  }
0x7a: {  	[tilespmem:s23], [sflag:$0x5] =	stream.indirect.gather [hbm4b:s1+s20], $0x80, s3, s20, $0xb8;
	[tilespmem:$0x1BB80] =	vst v63  }
0x7b: {  	_ =	swait.ge [sflag:s24], $0x80  }
0x7c: {  	[sflag:s24] =	ssyncset.done $0x0  }
0x7d: {  	[sflag:s24] =	ssyncadd.s32 $0xFFFFFF80  }
0x7e: {  	[tilespmem:s25], [sflag:$0x6] =	stream.indirect.gather [hbm4b:s1+s20], $0x80, s20, s20, $0xb8;
	[tilespmem:$0x1BB80] =	vst v63  }
0x7f: {  	_ =	swait.ge [sflag:s26], $0x4000  }
0x80: {  	[sflag:s26] =	ssyncset.done $0x0  }
0x81: {  	[sflag:s26] =	ssyncadd.s32 $0xFFFFC000  }
0x82: {  	_ =	swait.ge [sflag:s28], $0x80  }
0x83: {  	[sflag:s28] =	ssyncset.done $0x0  }
0x84: {  	[sflag:s28] =	ssyncadd.s32 $0xFFFFFF80  }
0x85: {  	[spmem:s2] =	stream.indirect.scatter.add.f32 [tilespmem:s23], [sflag:$0x7], $0x80, s19, s20, $0xb8;
	[tilespmem:$0x1BB80] =	vst v63  }
0x86: {  	_ =	swait.ge [sflag:s29], $0x4000  }
0x87: {  	[sflag:s29] =	ssyncset.done $0x0  }
0x88: {  	[sflag:s29] =	ssyncadd.s32 $0xFFFFC000  }
0x89: {  	_ =	swait.ge [sflag:s30], $0x4000  }
0x8a: {  	[sflag:s30] =	ssyncset.done $0x0  }
0x8b: {  	[sflag:s30] =	ssyncadd.s32 $0xFFFFC000  }
0x8c: {  	_ =	swait.ge [sflag:s31], $0x80  }
0x8d: {  	[sflag:s31] =	ssyncset.done $0x0  }
0x8e: {  	[sflag:s31] =	ssyncadd.s32 $0xFFFFFF80  }
0x8f: {  	[spmem:s2] =	stream.indirect.scatter.add.f32 [tilespmem:s25], [sflag:$0x7], $0x80, s21, s20, $0xb8;
	[tilespmem:$0x1BB80] =	vst v63  }
0x90: {  	_ =	swait.ge [sflag:s29], $0x4000  }
0x91: {  	[sflag:s29] =	ssyncset.done $0x0  }
0x92: {  	s10 =	rddreg [dreg:$0x7];
	[sflag:s29] =	ssyncadd.s32 $0xFFFFC000  }
0x93: {  	[tilespmem:s0], [sflag:$0x7] =	stream.linear.gather [hbm4b:s10+s3], $0x10, $0x38;
	[tilespmem:$0x1BB80] =	vst v63  }
0x94: {  	_ =	swait.ge [sflag:s29], $0x10  }
0x95: {  	[sflag:s29] =	ssyncset.done $0x0  }
0x96: {  	[sflag:s29] =	ssyncadd.s32 $0xFFFFFFF0  }
0x97: {  	[tilespmem:s23], [sflag:$0x5] =	stream.indirect.gather [hbm4b:s1+s4], $0x80, s0, s4, $0xb8;
	[tilespmem:$0x1BB80] =	vst v63  }
0x98: {  	_ =	swait.ge [sflag:s26], $0x800  }
0x99: {  	[sflag:s26] =	ssyncset.done $0x0  }
0x9a: {  	s11 =	rddreg [dreg:$0x8];
	[sflag:s26] =	ssyncadd.s32 $0xFFFFF800  }
0x9b: {  	[tilespmem:s5], [sflag:$0x7] =	stream.linear.gather [hbm4b:s11+s3], $0x10, $0x38;
	[tilespmem:$0x1BB80] =	vst v63  }
0x9c: {  	_ =	swait.ge [sflag:s29], $0x10  }
0x9d: {  	[sflag:s29] =	ssyncset.done $0x0  }
0x9e: {  	[sflag:s29] =	ssyncadd.s32 $0xFFFFFFF0  }
0x9f: {  	[spmem:s2] =	stream.indirect.scatter.add.f32 [tilespmem:s23], [sflag:$0x7], $0x80, s5, s4, $0xb8;
	[tilespmem:$0x1BB80] =	vst v63  }
0xa0: {  	_ =	swait.ge [sflag:s29], $0x800  }
0xa1: {  	[sflag:s29] =	ssyncset.done $0x0  }
0xa2: {  	[sflag:s29] =	ssyncadd.s32 $0xFFFFF800  }
0xa3: {  	[bflag:$0x0] =	sbarrier.arrive $0xFFFF  }
0xa4: {  	s8 =	simm.s32 @p0 $0x1FC7;
	s9 =	rddreg [dreg:$0xa]  }
0xa5: {  	[hbm:s9], [sflag:s8] =	dma.local @p0 [spmem:s17], $0x2800  }
0xa6: {  	s8 =	simm.s32 @p0 $0x7  }
0xa7: {  	_ =	swait.ge @p0 [sflag:s8], $0x2800  }
0xa8: {  	[sflag:s8] =	ssyncset.done @p0 $0x0  }
0xa9: {  	[sflag:s8] =	ssyncadd.s32 @p0 $0xFFFFD800;
	s8 =	rddreg [dreg:$0x9]  }
0xaa: {  	[hbm:s8], [sflag:s18] =	dma.local @!p0 [spmem:s7], $0x2700  }
0xab: {  	s7 =	simm.s32 @!p0 $0x7  }
0xac: {  	_ =	swait.ge @!p0 [sflag:s7], $0x2700  }
0xad: {  	s6 =	sadd.s32 $0x1, s6;
	s12 =	rddreg [dreg:$0xb]  }
0xae: {  	p1 =	sne.s32 s6, s12  }
.Ltmp1:
0xaf: {  	_ = 	snop;
	(pc) =	sbr.rel @p1 .LBB2_1-.Ltmp1, $3  }
0xb0: {  	_ =	sdelay $0x1  }
0xb1: {  	[sflag:s7] =	ssyncset.done @!p0 $0x0  }
0xb2: {  	[sflag:s7] =	ssyncadd.s32 @!p0 $0xFFFFD900  }
0xb3: {  	_ =	sfence.sel $0x180000  }
0xb4: {  	[bflag:$0x0] =	sbarrier.arrive $0xFFFF  }
0xb5: {  	_ =	strace $0x9000004D  }
0xb6: {  	s0 =	stileid.u32;
	[bflag:$0x2] =	sbarrier.arrive $0xFFFF  }
0xb7: {  	p0 =	sne.s32 s0, $0x0;
	s0 =	rddreg [dreg:$0x3]  }
0xb8: {  	s0 =	sadd.s32 @!p0 $0x100000, s0  }
0xb9: {  	[sflag:s0] =	ssyncadd.tile.s32 @!p0 $0x1;
	_ =	shalt  }
.Lfunc_end2:
_tile_overlayer_lowered:
.L_overlay_start_2:
0xba: {  	(tag) =	ssettag $0x2  }
0xbb: {  	s0 =	rddreg [dreg:$0x0];
	s2 =	stileid.u32  }
0xbc: {  	s1 =	rddreg [dreg:$0x1];
	p0 =	sne.s32 s2, $0x0  }
0xbd: {  	s3 =	rddreg [dreg:$0x2];
	[bflag:$0x3] =	sbarrier.arrive $0xFFFF;
	s2 =	simm.s32 @!p0 $0x1C07  }
0xbe: {  	[timem:s3], [sflag:s2] =	dma.local @!p0 [hbm:s0], s1  }
0xbf: {  	s0 =	simm.s32 @!p0 $0x7  }
0xc0: {  	_ =	swait.ge @!p0 [sflag:s0], s1  }
0xc1: {  	s1 =	ssub.s32 @!p0 $0x0, s1;
	[sflag:s0] =	ssyncset.done @!p0 $0x0  }
0xc2: {  	[sflag:s0] =	ssyncadd.s32 @!p0 s1  }
0xc3: {  	[bflag:$0x3] =	sbarrier.arrive $0xFFFF  }
0xc4: {  	_ =	shalt  }

// kernel: kernel.9.cloned.1.call-start
scs
__scs_entry_jumppad:
0x0: {  	(pc) =	sbr.rel $0x88, $3  }
0x1: {  	(tag) =	ssettag $0x0;
	lr =	simm.s32 $0x1  }
0x2: {  	[smem:$0x3F91] =	sst lr;
	_ =	strace $0xD0000000  }
0x3: {  	_ = 	snop  }
0x4: {  	_ = 	snop  }
0x5: {  	_ = 	snop  }
0x6: {  	_ = 	snop  }
0x7: {  	_ = 	snop  }
__scs_overlays_trampoline_lowered:
0x8: {  	[smem:$0x3FA0] =	sst s0  }
0x9: {  	[smem:$0x3FA1] =	sst s1  }
0xa: {  	[smem:$0x3FA2] =	sst s2  }
0xb: {  	[smem:$0x3FA3] =	sst s3  }
0xc: {  	[smem:$0x3FA4] =	sst s4  }
0xd: {  	[smem:$0x3FA5] =	sst s5  }
0xe: {  	[smem:$0x3FA6] =	sst s6  }
0xf: {  	[smem:$0x3FA7] =	sst s7  }
0x10: {  	[smem:$0x3FA8] =	sst s8  }
0x11: {  	[smem:$0x3FA9] =	sst s9;
	s0 =	simm.s32 @!p0 $0x0  }
0x12: {  	s1 =	sld [smem:$0x3F8F];
	s0 =	simm.s32 @p0 $0x1  }
0x13: {  	[smem:$0x3FAA] =	sst s0;
	s0 =	simm.s32 @!p1 $0x0  }
0x14: {  	s2 =	sld [smem:$0x3F8E];
	s0 =	simm.s32 @p1 $0x1  }
0x15: {  	[smem:$0x3FAB] =	sst s0;
	s0 =	simm.s32 @!p2 $0x0  }
0x16: {  	s3 =	sld [smem:$0x3FDB];
	s0 =	simm.s32 @p2 $0x1  }
0x17: {  	s4 =	simm.s32 $0x1BF5;
	[smem:$0x3FAD] =	sst s0  }
0x18: {  	s0 =	sld [smem:$0x3F90];
	_ =	swait.ge [sflag:s4], $0x0  }
0x19: {  	s7 =	sld [smem:$0x3F91]  }
0x1a: {  	s8 =	sadd.s32 $0xFFFFE003, lr  }
0x1b: {  	s9 =	sadd.s32 $0xFFFFFEF7, lr;
	s5 =	simm.s32 $0xFFFFFFFF;
	p2 =	slt.u32 s8, $0xFFFFF086  }
0x1c: {  	p1 =	slt.u32 s9, $0xF7A;
	s5 =	simm.s32 @!p2 $0x0  }
0x1d: {  	s5 =	simm.s32 @p1 $0x1;
	p0 =	seq.s32 s7, s2  }
0x1e: {  	s7 =	smul.u32 @!p0 $0xF7A, s2;
	p2 =	seq.s32 @!p0 s5, $0x0  }
0x1f: {  	s9 =	smul.u32 $0xF7A, s1;
	s8 =	simm.s32 @!p0 $0x1BF5;
	p2 =	por !p2, p0  }
0x20: {  	[sflag:s8] =	ssyncset.s32 @!p0 $0xFFFFF086;
	s6 =	sadd.s32 @!p0 s3, s7;
	s7 =	simm.s32 @!p0 $0x108  }
0x21: {  	s3 =	sadd.s32 s3, s9;
	s6 =	sadd.s32 @!p0 $0x88, s6;
	s7 =	simm.s32 @p2 $0x1082  }
0x22: {  	[simem:s7], [sflag:s8] =	dma.local @!p0 [hbm:s6], $0xF7A  }
0x23: {  	s9 =	sor.u32 $0xD0000000, s2;
	s6 =	simm.s32 $0x108;
	_ =	swait.ge @!p0 [sflag:s8], $0x0  }
0x24: {  	s3 =	sadd.s32 $0x88, s3;
	s6 =	simm.s32 @!p1 $0x1082;
	[sflag:s4] =	ssyncset.s32 $0xFFFFF086  }
0x25: {  	[simem:s6], [sflag:s4] =	dma.local [hbm:s3], $0xF7A  }
0x26: {  	[smem:$0x3F91] =	sst s1;
	(tag) =	ssettag s2;
	_ =	strace s9  }
0x27: {  	s1 =	sld [smem:$0x3FA1]  }
0x28: {  	s2 =	sld [smem:$0x3FA2]  }
0x29: {  	s4 =	sld [smem:$0x3FA4]  }
0x2a: {  	p0 =	seq.s32 s5, $0x0;
	s5 =	sld [smem:$0x3FA5]  }
0x2b: {  	s6 =	sld [smem:$0x3FA6]  }
0x2c: {  	s7 =	sld [smem:$0x3FA7]  }
0x2d: {  	s3 =	simm.s32 $0x108;
	s8 =	sld [smem:$0x3FA8]  }
0x2e: {  	s3 =	simm.s32 @!p0 $0x1082;
	s9 =	sld [smem:$0x3FA9]  }
0x2f: {  	lr =	sadd.s32 s0, s3;
	s0 =	sld [smem:$0x3FA0]  }
0x30: {  	s3 =	sld [smem:$0x3FA3]  }
0x31: {  	[smem:$0x3FAC] =	sst s10  }
0x32: {  	s10 =	sld [smem:$0x3FAA];
	_ =	sdelay $0x3  }
0x33: {  	p0 =	seq.s32 s10, $0x1;
	s10 =	sld [smem:$0x3FAC];
	_ =	sdelay $0x3  }
0x34: {  	[smem:$0x3FAC] =	sst s10  }
0x35: {  	s10 =	sld [smem:$0x3FAB];
	_ =	sdelay $0x3  }
0x36: {  	p1 =	seq.s32 s10, $0x1;
	s10 =	sld [smem:$0x3FAC];
	_ =	sdelay $0x3  }
0x37: {  	[smem:$0x3FAC] =	sst s10  }
0x38: {  	s10 =	sld [smem:$0x3FAD]  }
0x39: {  	_ = 	snop;
	(pc) =	sbr.ind lr, $3  }
0x3a: {  	_ = 	snop  }
0x3b: {  	_ = 	snop  }
0x3c: {  	p2 =	seq.s32 s10, $0x1;
	s10 =	sld [smem:$0x3FAC]  }
0x3d: {  	_ =	shalt  }
0x3e: {  	_ =	shalt  }
0x3f: {  	_ =	shalt  }
0x40: {  	_ =	shalt  }
0x41: {  	_ =	shalt  }
0x42: {  	_ =	shalt  }
0x43: {  	_ =	shalt  }
0x44: {  	_ =	shalt  }
0x45: {  	_ =	shalt  }
0x46: {  	_ =	shalt  }
0x47: {  	_ =	shalt  }
0x48: {  	_ =	shalt  }
0x49: {  	_ =	shalt  }
0x4a: {  	_ =	shalt  }
0x4b: {  	_ =	shalt  }
0x4c: {  	_ =	shalt  }
0x4d: {  	_ =	shalt  }
0x4e: {  	_ =	shalt  }
0x4f: {  	_ =	shalt  }
0x50: {  	_ =	shalt  }
0x51: {  	_ =	shalt  }
0x52: {  	_ =	shalt  }
0x53: {  	_ =	shalt  }
0x54: {  	_ =	shalt  }
0x55: {  	_ =	shalt  }
0x56: {  	_ =	shalt  }
0x57: {  	_ =	shalt  }
0x58: {  	_ =	shalt  }
0x59: {  	_ =	shalt  }
0x5a: {  	_ =	shalt  }
0x5b: {  	_ =	shalt  }
0x5c: {  	_ =	shalt  }
0x5d: {  	_ =	shalt  }
0x5e: {  	_ =	shalt  }
0x5f: {  	_ =	shalt  }
0x60: {  	_ =	shalt  }
0x61: {  	_ =	shalt  }
0x62: {  	_ =	shalt  }
0x63: {  	_ =	shalt  }
0x64: {  	_ =	shalt  }
0x65: {  	_ =	shalt  }
0x66: {  	_ =	shalt  }
0x67: {  	_ =	shalt  }
0x68: {  	_ =	shalt  }
0x69: {  	_ =	shalt  }
0x6a: {  	_ =	shalt  }
0x6b: {  	_ =	shalt  }
0x6c: {  	_ =	shalt  }
0x6d: {  	_ =	shalt  }
0x6e: {  	_ =	shalt  }
0x6f: {  	_ =	shalt  }
0x70: {  	_ =	shalt  }
0x71: {  	_ =	shalt  }
0x72: {  	_ =	shalt  }
0x73: {  	_ =	shalt  }
0x74: {  	_ =	shalt  }
0x75: {  	_ =	shalt  }
0x76: {  	_ =	shalt  }
0x77: {  	_ =	shalt  }
0x78: {  	_ =	shalt  }
0x79: {  	_ =	shalt  }
0x7a: {  	_ =	shalt  }
0x7b: {  	_ =	shalt  }
0x7c: {  	_ =	shalt  }
0x7d: {  	_ =	shalt  }
0x7e: {  	_ =	shalt  }
0x7f: {  	_ =	shalt  }
0x80: {  	_ =	shalt  }
0x81: {  	_ =	shalt  }
0x82: {  	_ =	shalt  }
0x83: {  	_ =	shalt  }
0x84: {  	_ =	shalt  }
0x85: {  	_ =	shalt  }
0x86: {  	_ =	shalt  }
0x87: {  	_ =	shalt  }
.Lfunc_end0:
.L_simem_size_0:
called_computation_lowered:
.L_overlay_start_0:
0x88: {  	s2 =	sld [smem:$0x3FD9]  }
0x89: {  	s3 =	sld [smem:$0x3FFE];
	_ =	sdelay $0x1  }
0x8a: {  	s1 =	srdreg.scid  }
0x8b: {  	s0 =	sand.u32 $0x1, s1  }
0x8c: {  	s16 =	sshll.u32 s0, $0xA;
	s2 =	sadd.s32 s3, s2  }
0x8d: {  	s2 =	sadd.s32 s2, s16  }
0x8e: {  	[smem:$0x3FB8] =	sst s2  }
0x8f: {  	_ = 	snop  }
0x90: {  	(tm) =	ssettm $0x1  }
0x91: {  	s17 =	sld [smem:$0x3FFB];
	_ =	sdelay $0x3  }
0x92: {  	_ =	strace s17  }
0x93: {  	s2 =	sld [smem:$0x3FFC];
	_ =	sdelay $0x3  }
0x94: {  	_ =	strace s2  }
0x95: {  	s2 =	sld [smem:$0x3FFD];
	_ =	sdelay $0x3  }
0x96: {  	_ =	strace s2  }
0x97: {  	_ =	strace $0x8FFFFFFF  }
0x98: {  	s18 =	sld [smem:$0x3FDB];
	_ =	sdelay $0x1  }
0x99: {  	s19 =	simm.s32 $_scs_section_size  }
0x9a: {  	s4 =	simm.s32 $_size__tile_overlayer_lowered;
	s5 =	simm.s32 $_tile_overlayer_lowered  }
0x9b: {  	s22 =	simm.s32 $0x1BFF;
	s21 =	sshll.u32 s5, $0x1;
	s2 =	sadd.s32 s19, s18  }
0x9c: {  	s6 =	simm.s32 $0x0;
	s20 =	sshll.u32 s4, $0x1;
	s4 =	sadd.s32 s21, s2  }
0x9d: {  	[timem:s6], [sflag:s22] =	dma.local [hbm:s4], s20  }
0x9e: {  	_ =	swait.ge [sflag:s22], s20  }
0x9f: {  	s3 =	ssub.s32 $0x0, s20;
	[sflag:s22] =	ssyncset.done $0x0  }
0xa0: {  	[sflag:s22] =	ssyncadd.s32 s3;
	_ =	sdelay $0x1  }
0xa1: {  	s23 =	simm.s32 $0x1B8B  }
0xa2: {  	_ =	swait.ge [sflag:s23], $0x1  }
0xa3: {  	[sflag:s23] =	ssyncset.done $0x0  }
0xa4: {  	s25 =	simm.s32 $0x1B8E;
	s24 =	sld [smem:$0x3FFE];
	[sflag:s23] =	ssyncadd.s32 $0xFFFFFFFF  }
0xa5: {  	s26 =	simm.s32 $execute0_lowered;
	[smem:$0x3FD2] =	sst s25  }
0xa6: {  	s4 =	sshll.u32 s26, $0x1;
	_ =	strace $0x80000046;
	[dreg:$0x1] =	wrdreg $0xFFFFFFFF  }
0xa7: {  	s28 =	simm.s32 $_size_execute0_lowered;
	s2 =	sadd.s32 s2, s4;
	[dreg:$0x0] =	wrdreg $0x0  }
0xa8: {  	s4 =	sshll.u32 s28, $0x1;
	[dreg:$0x2] =	wrdreg s2  }
0xa9: {  	[dreg:$0x3] =	wrdreg s4  }
0xaa: {  	[dreg:$0x4] =	wrdreg $0xC0  }
0xab: {  	_ =	task [dreg:s6], $0x5FFFF  }
0xac: {  	[dreg:$0x1] =	wrdreg $0xFFFFFFFF  }
0xad: {  	[dreg:$0x0] =	wrdreg $0x60  }
0xae: {  	[dreg:$0x2] =	wrdreg s24  }
0xaf: {  	[dreg:$0x3] =	wrdreg $0x41800  }
0xb0: {  	[dreg:$0x4] =	wrdreg $0x9  }
0xb1: {  	_ =	task.clear_ibuf [dreg:s6], $0x5FFFF;
	_ =	strace $0x90000046  }
0xb2: {  	s29 =	simm.s32 $0x9;
	_ =	strace $0x80000048  }
0xb3: {  	_ =	swait.ge [sflag:s29], $0x1  }
0xb4: {  	[sflag:s29] =	ssyncadd.s32 $0xFFFFFFFF  }
0xb5: {  	_ =	strace $0x90000048  }
0xb6: {  	_ =	sfence  }
0xb7: {  	s30 =	sld [smem:$0x0];
	_ =	sdelay $0x2  }
0xb8: {  	s31 =	sshll.u32 s1, $0xD;
	s1 =	sshrl.u32 s1, $0x2  }
0xb9: {  	s3 =	sand.u32 $0x4000, s31;
	s1 =	sadd.s32 s1, s30  }
0xba: {  	s0 =	sor.u32 s3, s0;
	s1 =	sshll.u32 s1, $0x11  }
0xbb: {  	s0 =	sor.u32 s1, s0  }
0xbc: {  	s0 =	sadd.s32 $0x8F2B, s0  }
0xbd: {  	[sflag:s0] =	ssyncadd.remote.s32 $0x1  }
0xbe: {  	_ =	sfence.sel $0xFFFF  }
0xbf: {  	[dreg:$0x0] =	wrdreg $0xFFFFFFFF;
	(pc) =	sbr.abs _section_cstart, $3  }
0xc0: {  	[dreg:$0x1] =	wrdreg $0xFFFFFFFF  }
0xc1: {  	_ =	task.clear_ibuf [dreg:s6], $0x2FFFF;
	_ =	strace $0x9FFFFFFF  }
0xc2: {  	(tm) =	ssettm $0x7FFFFFFF  }
0xc3: {  	_ =	shalt  }
tec
execute0_lowered:
.L_overlay_start_1:
0x0: {  	(tag) =	ssettag $0x1  }
0x1: {  	s4 =	rddreg [dreg:$0x0]  }
0x2: {  	s1 =	rddreg [dreg:$0x1];
	s2 =	simm.s32 $0x0  }
0x3: {  	s3 =	srdreg.scid;
	s0 =	stileid.u32;
	s22 =	simm.s32 $0x180  }
0x4: {  	s23 =	simm.s32 $0x3;
	s24 =	simm.s32 $0x2;
	s25 =	simm.s32 $0x100  }
0x5: {  	s26 =	simm.s32 $0x10;
	s28 =	simm.s32 $0x0;
	[smem:$0x7FF] =	sst s2  }
0x6: {  	s7 =	sand.u32 $0x1, s3;
	s19 =	sadd.s32 $0xD200, s4;
	s6 =	smul.u32 $0x4E000, s0  }
0x7: {  	s8 =	sadd.s32 $0x17000, s4;
	s12 =	smul.u32 $0x13800, s0;
	s16 =	sadd.s32 $0x130800, s1  }
0x8: {  	s15 =	smul.u32 $0x2710, s0;
	p0 =	seq.s32 s0, $0xF;
	_ =	strace $0x80000047  }
0x9: {  	s5 =	sshll.u32 s7, $0x4;
	s9 =	ssub.s32 $0x2, s7;
	s11 =	smul.u32 $0x138800, s7  }
0xa: {  	s14 =	smul.u32 $0x27100, s7;
	s5 =	sor.u32 s0, s5;
	s29 =	sshrl.u32 s6, $0x2  }
0xb: {  	s10 =	sshrl.u32 s9, $0x1;
	s5 =	smul.u32 $0x2710, s5;
	s4 =	sadd.s32 s29, s1  }
0xc: {  	s10 =	ssub.s32 s9, s10;
	s31 =	sadd.s32 s12, s11;
	s11 =	sshrl.u32 s11, $0x3  }
0xd: {  	s17 =	sadd.s32 s15, s14;
	s14 =	sadd.s32 $0x128800, s1;
	s15 =	sadd.s32 $0x12C800, s1  }
0xe: {  	s9 =	sshrl.u32 s31, $0x3;
	s11 =	sadd.s32 s8, s11;
	s10 =	smax.u32 s10, $0x1  }
0xf: {  	s12 =	sadd.s32 $0x8000, s4;
	s13 =	sadd.s32 $0xC000, s4;
	s18 =	sadd.s32 $0x80, s17  }
0x10: {  	s20 =	sshrl.u32 s17, $0x3;
	s17 =	sadd.s32 $0x134800, s1;
	s30 =	sshrl.u32 s5, $0x3  }
0x11: {  	s5 =	sadd.s32 $0x10000, s4;
	s7 =	sadd.s32 s8, s9;
	s8 =	sadd.s32 $0x24900, s11  }
0x12: {  	s9 =	sadd.s32 $0x124800, s1;
	s11 =	sadd.s32 $0x4000, s4;
	s21 =	sshrl.u32 s18, $0x3  }
0x13: {  	s18 =	sadd.s32 s20, s19;
	s20 =	simm.s32 $0x80;
	s6 =	sadd.s32 s19, s30  }
0x14: {  	v0 =	vimm.f32 $0.0e+00;
	v1 =	vimm.f32 $1.000000000e+00;
	s19 =	sadd.s32 s21, s19;
	s21 =	simm.s32 $0x1;
	s6 =	sadd.s32 $0x4E0, s6  }
.LBB2_1:
0x15: {  	s29 =	sand.u32 $0xFE00, s2  }
0x16: {  	s30 =	sand.u32 $0x70, s2;
	s31 =	sshrl.u32 s29, $0x2  }
0x17: {  	s29 =	simm.s32 $0x40;
	s31 =	sor.u32 s30, s31;
	s30 =	simm.s32 $0x0  }
.LBB2_2:
0x18: {  	p1 =	sne.s32 s29, $0xFFC0  }
0x19: {  	[tilespmem:s31+$0x180] =	vst v0;
	s30 =	sadd.s32 $0x10, s30;
	s31 =	smov.u32 s29;
	s29 =	sadd.s32 $0x40, s29  }
.Ltmp0:
0x1a: {  	(pc) =	sbr.rel @p1 .LBB2_2-.Ltmp0, $4  }
0x1b: {  	_ = 	snop  }
0x1c: {  	s31 =	sand.u32 $0xFE00, s31  }
0x1d: {  	s0 =	sand.u32 $0x70, s30;
	s31 =	sshrl.u32 s31, $0x2  }
0x1e: {  	s31 =	sor.u32 s0, s31  }
0x1f: {  	[tilespmem:s31+$0x180] =	vst v0;
	s0 =	simm.s32 @p0 $0x180;
	s29 =	simm.s32 @p0 $0x3  }
0x20: {  	[spmem:s9] =	stream.linear.scatter @p0 [tilespmem:s0], [sflag:$0x3], $0x4000, $0x38;
	[tilespmem:$0x17A00] =	vst v63  }
0x21: {  	_ =	swait.ge @p0 [sflag:s29], $0x4000  }
0x22: {  	[sflag:s29] =	ssyncset.done @p0 $0x0  }
0x23: {  	[sflag:s29] =	ssyncadd.s32 @p0 $0xFFFFC000  }
0x24: {  	[spmem:s14] =	stream.linear.scatter @p0 [tilespmem:s0], [sflag:$0x3], $0x4000, $0x38;
	[tilespmem:$0x17A00] =	vst v63  }
0x25: {  	_ =	swait.ge @p0 [sflag:s29], $0x4000  }
0x26: {  	[sflag:s29] =	ssyncset.done @p0 $0x0  }
0x27: {  	[sflag:s29] =	ssyncadd.s32 @p0 $0xFFFFC000  }
0x28: {  	[spmem:s15] =	stream.linear.scatter @p0 [tilespmem:s0], [sflag:$0x3], $0x4000, $0x38;
	[tilespmem:$0x17A00] =	vst v63  }
0x29: {  	_ =	swait.ge @p0 [sflag:s29], $0x4000  }
0x2a: {  	[sflag:s29] =	ssyncset.done @p0 $0x0  }
0x2b: {  	[sflag:s29] =	ssyncadd.s32 @p0 $0xFFFFC000  }
0x2c: {  	[spmem:s16] =	stream.linear.scatter @p0 [tilespmem:s0], [sflag:$0x3], $0x4000, $0x38;
	[tilespmem:$0x17A00] =	vst v63  }
0x2d: {  	_ =	swait.ge @p0 [sflag:s29], $0x4000  }
0x2e: {  	[sflag:s29] =	ssyncset.done @p0 $0x0  }
0x2f: {  	[sflag:s29] =	ssyncadd.s32 @p0 $0xFFFFC000  }
0x30: {  	[spmem:s17] =	stream.linear.scatter @p0 [tilespmem:s0], [sflag:$0x3], $0x4000, $0x38;
	[tilespmem:$0x17A00] =	vst v63  }
0x31: {  	_ =	swait.ge @p0 [sflag:s29], $0x4000  }
0x32: {  	[sflag:s29] =	ssyncset.done @p0 $0x0  }
0x33: {  	s30 =	simm.s32 @!p0 $0x3;
	s0 =	simm.s32 @!p0 $0x180;
	[sflag:s29] =	ssyncadd.s32 @p0 $0xFFFFC000  }
0x34: {  	[spmem:s4] =	stream.linear.scatter @!p0 [tilespmem:s0], [sflag:$0x3], $0x4000, $0x38;
	[tilespmem:$0x17A00] =	vst v63  }
0x35: {  	_ =	swait.ge @!p0 [sflag:s30], $0x4000  }
0x36: {  	[sflag:s30] =	ssyncset.done @!p0 $0x0  }
0x37: {  	[sflag:s30] =	ssyncadd.s32 @!p0 $0xFFFFC000  }
0x38: {  	[spmem:s11] =	stream.linear.scatter @!p0 [tilespmem:s0], [sflag:$0x3], $0x4000, $0x38;
	[tilespmem:$0x17A00] =	vst v63  }
0x39: {  	_ =	swait.ge @!p0 [sflag:s30], $0x4000  }
0x3a: {  	[sflag:s30] =	ssyncset.done @!p0 $0x0  }
0x3b: {  	[sflag:s30] =	ssyncadd.s32 @!p0 $0xFFFFC000  }
0x3c: {  	[spmem:s12] =	stream.linear.scatter @!p0 [tilespmem:s0], [sflag:$0x3], $0x4000, $0x38;
	[tilespmem:$0x17A00] =	vst v63  }
0x3d: {  	_ =	swait.ge @!p0 [sflag:s30], $0x4000  }
0x3e: {  	[sflag:s30] =	ssyncset.done @!p0 $0x0  }
0x3f: {  	[sflag:s30] =	ssyncadd.s32 @!p0 $0xFFFFC000  }
0x40: {  	[spmem:s13] =	stream.linear.scatter @!p0 [tilespmem:s0], [sflag:$0x3], $0x4000, $0x38;
	[tilespmem:$0x17A00] =	vst v63  }
0x41: {  	_ =	swait.ge @!p0 [sflag:s30], $0x4000  }
0x42: {  	[sflag:s30] =	ssyncset.done @!p0 $0x0  }
0x43: {  	s29 =	simm.s32 $0x0;
	[sflag:s30] =	ssyncadd.s32 @!p0 $0xFFFFC000  }
0x44: {  	[spmem:s5] =	stream.linear.scatter @!p0 [tilespmem:s0], [sflag:$0x3], $0x3800, $0x38;
	[tilespmem:$0x17A00] =	vst v63  }
0x45: {  	s3 =	sand.u32 $0xFE00, s29;
	_ =	swait.ge @!p0 [sflag:s30], $0x3800  }
0x46: {  	s31 =	sand.u32 $0x70, s29;
	s0 =	sshrl.u32 s3, $0x2;
	[sflag:s30] =	ssyncset.done @!p0 $0x0  }
0x47: {  	s31 =	sor.u32 s31, s0;
	[sflag:s30] =	ssyncadd.s32 @!p0 $0xFFFFC800;
	s30 =	simm.s32 $0x40  }
.LBB2_4:
0x48: {  	p1 =	sne.s32 s30, $0xFFC0  }
0x49: {  	[tilespmem:s31+$0x180] =	vst v1;
	s29 =	sadd.s32 $0x10, s29;
	s0 =	smov.u32 s30;
	s30 =	sadd.s32 $0x40, s30  }
.Ltmp1:
0x4a: {  	(pc) =	sbr.rel @p1 .LBB2_4-.Ltmp1, $4  }
0x4b: {  	_ = 	snop  }
0x4c: {  	s0 =	sand.u32 $0xFE00, s0  }
0x4d: {  	s31 =	sand.u32 $0x70, s29;
	s0 =	sshrl.u32 s0, $0x2  }
0x4e: {  	s31 =	sor.u32 s31, s0  }
0x4f: {  	[tilespmem:s31+$0x180] =	vst v1  }
0x50: {  	s0 =	sadd.s32 $0x0, s18;
	[bflag:$0x0] =	sbarrier.arrive $0xFFFF  }
0x51: {  	[tilespmem:s2], [sflag:$0x1] =	stream.linear.gather [hbm4b:s0+s2], $0x80, $0x38;
	[tilespmem:$0x17A00] =	vst v63  }
0x52: {  	s31 =	sadd.s32 $0x0, s19  }
0x53: {  	[tilespmem:s20], [sflag:$0x2] =	stream.linear.gather [hbm4b:s31+s2], $0x80, $0x38;
	[tilespmem:$0x17A00] =	vst v63  }
0x54: {  	_ =	swait.ge [sflag:s21], $0x80  }
0x55: {  	[sflag:s21] =	ssyncset.done $0x0  }
0x56: {  	[sflag:s21] =	ssyncadd.s32 $0xFFFFFF80  }
0x57: {  	[spmem:s1] =	stream.indirect.scatter.add.f32 [tilespmem:s22], [sflag:$0x3], $0x80, s2, s20, $0xb8;
	[tilespmem:$0x17A00] =	vst v63  }
0x58: {  	_ =	swait.ge [sflag:s23], $0x4000  }
0x59: {  	[sflag:s23] =	ssyncset.done $0x0  }
0x5a: {  	[sflag:s23] =	ssyncadd.s32 $0xFFFFC000  }
0x5b: {  	_ =	swait.ge [sflag:s24], $0x80  }
0x5c: {  	[sflag:s24] =	ssyncset.done $0x0  }
0x5d: {  	[sflag:s24] =	ssyncadd.s32 $0xFFFFFF80  }
0x5e: {  	[spmem:s1] =	stream.indirect.scatter.add.f32 [tilespmem:s22], [sflag:$0x3], $0x80, s20, s20, $0xb8;
	[tilespmem:$0x17A00] =	vst v63  }
0x5f: {  	_ =	swait.ge [sflag:s23], $0x4000  }
0x60: {  	s29 =	simm.s32 $0x20;
	s30 =	simm.s32 $0x40;
	[sflag:s23] =	ssyncset.done $0x0  }
.LBB2_6:
0x61: {  	s0 =	sadd.s32 s29, s18  }
0x62: {  	[sflag:s23] =	ssyncadd.s32 $0xFFFFC000;
	s31 =	smov.u32 s30;
	s3 =	sadd.s32 $0x20, s30  }
0x63: {  	[tilespmem:s2], [sflag:$0x1] =	stream.linear.gather [hbm4b:s0+s2], $0x80, $0x38;
	[tilespmem:$0x17A00] =	vst v63  }
0x64: {  	p1 =	sne.s32 s30, $0x4C0;
	s0 =	sadd.s32 s29, s19;
	s29 =	smov.u32 s31  }
0x65: {  	[tilespmem:s20], [sflag:$0x2] =	stream.linear.gather [hbm4b:s0+s2], $0x80, $0x38;
	[tilespmem:$0x17A00] =	vst v63  }
0x66: {  	_ =	swait.ge [sflag:s21], $0x80  }
0x67: {  	[sflag:s21] =	ssyncset.done $0x0  }
0x68: {  	[sflag:s21] =	ssyncadd.s32 $0xFFFFFF80  }
0x69: {  	[spmem:s1] =	stream.indirect.scatter.add.f32 [tilespmem:s22], [sflag:$0x3], $0x80, s2, s20, $0xb8;
	[tilespmem:$0x17A00] =	vst v63  }
0x6a: {  	_ =	swait.ge [sflag:s23], $0x4000  }
0x6b: {  	[sflag:s23] =	ssyncset.done $0x0  }
0x6c: {  	[sflag:s23] =	ssyncadd.s32 $0xFFFFC000  }
0x6d: {  	_ =	swait.ge [sflag:s24], $0x80  }
.Ltmp2:
0x6e: {  	[sflag:s24] =	ssyncset.done $0x0;
	(pc) =	sbr.rel @p1 .LBB2_6-.Ltmp2, $4  }
0x6f: {  	[sflag:s24] =	ssyncadd.s32 $0xFFFFFF80  }
0x70: {  	[spmem:s1] =	stream.indirect.scatter.add.f32 [tilespmem:s22], [sflag:$0x3], $0x80, s20, s20, $0xb8;
	[tilespmem:$0x17A00] =	vst v63  }
0x71: {  	_ =	swait.ge [sflag:s23], $0x4000  }
0x72: {  	s30 =	smov.u32 s3;
	[sflag:s23] =	ssyncset.done $0x0  }
0x73: {  	s0 =	sadd.s32 s29, s18;
	[sflag:s23] =	ssyncadd.s32 $0xFFFFC000  }
0x74: {  	[tilespmem:s2], [sflag:$0x1] =	stream.linear.gather [hbm4b:s0+s2], $0x80, $0x38;
	[tilespmem:$0x17A00] =	vst v63  }
0x75: {  	s31 =	sadd.s32 s29, s19  }
0x76: {  	[tilespmem:s20], [sflag:$0x2] =	stream.linear.gather [hbm4b:s31+s2], $0x80, $0x38;
	[tilespmem:$0x17A00] =	vst v63  }
0x77: {  	_ =	swait.ge [sflag:s21], $0x80  }
0x78: {  	[sflag:s21] =	ssyncset.done $0x0  }
0x79: {  	[sflag:s21] =	ssyncadd.s32 $0xFFFFFF80  }
0x7a: {  	[spmem:s1] =	stream.indirect.scatter.add.f32 [tilespmem:s22], [sflag:$0x3], $0x80, s2, s20, $0xb8;
	[tilespmem:$0x17A00] =	vst v63  }
0x7b: {  	_ =	swait.ge [sflag:s23], $0x4000  }
0x7c: {  	[sflag:s23] =	ssyncset.done $0x0  }
0x7d: {  	[sflag:s23] =	ssyncadd.s32 $0xFFFFC000  }
0x7e: {  	_ =	swait.ge [sflag:s24], $0x80  }
0x7f: {  	[sflag:s24] =	ssyncset.done $0x0  }
0x80: {  	[sflag:s24] =	ssyncadd.s32 $0xFFFFFF80  }
0x81: {  	[spmem:s1] =	stream.indirect.scatter.add.f32 [tilespmem:s22], [sflag:$0x3], $0x80, s20, s20, $0xb8;
	[tilespmem:$0x17A00] =	vst v63  }
0x82: {  	_ =	swait.ge [sflag:s23], $0x4000  }
0x83: {  	[sflag:s23] =	ssyncset.done $0x0  }
0x84: {  	[sflag:s23] =	ssyncadd.s32 $0xFFFFC000  }
0x85: {  	[tilespmem:s25], [sflag:$0x3] =	stream.linear.gather [hbm4b:s6+s2], $0x10, $0x38;
	[tilespmem:$0x17A00] =	vst v63  }
0x86: {  	_ =	swait.ge [sflag:s23], $0x10  }
0x87: {  	[sflag:s23] =	ssyncset.done $0x0  }
0x88: {  	[sflag:s23] =	ssyncadd.s32 $0xFFFFFFF0  }
0x89: {  	[spmem:s1] =	stream.indirect.scatter.add.f32 [tilespmem:s22], [sflag:$0x3], $0x80, s25, s26, $0xb8;
	[tilespmem:$0x17A00] =	vst v63  }
0x8a: {  	_ =	swait.ge [sflag:s23], $0x800  }
0x8b: {  	[sflag:s23] =	ssyncset.done $0x0  }
0x8c: {  	[sflag:s23] =	ssyncadd.s32 $0xFFFFF800  }
0x8d: {  	s3 =	simm.s32 @p0 $0x1FC3;
	s0 =	sshrl.u32 @p0 s9, $0x3;
	[bflag:$0x0] =	sbarrier.arrive $0xFFFF  }
0x8e: {  	[hbm:s8], [sflag:s3] =	dma.local @p0 [spmem:s0], $0x2800  }
0x8f: {  	s0 =	simm.s32 @p0 $0x3  }
0x90: {  	s28 =	sadd.s32 $0x1, s28;
	s3 =	stileid.u32;
	_ =	swait.ge @p0 [sflag:s0], $0x2800  }
0x91: {  	p1 =	sne.s32 s28, s10;
	s3 =	sshll.u32 @!p0 s3, $0x6;
	[sflag:s0] =	ssyncset.done @p0 $0x0  }
0x92: {  	[sflag:s0] =	ssyncadd.s32 @p0 $0xFFFFD800;
	s0 =	sor.u32 @!p0 $0x1C03, s3;
	s3 =	sshrl.u32 @!p0 s4, $0x3  }
0x93: {  	[hbm:s7], [sflag:s0] =	dma.local @!p0 [spmem:s3], $0x2700  }
.Ltmp3:
0x94: {  	_ = 	snop;
	(pc) =	sbr.rel @p1 .LBB2_1-.Ltmp3, $4  }
0x95: {  	s0 =	simm.s32 @!p0 $0x3  }
0x96: {  	_ =	swait.ge @!p0 [sflag:s0], $0x2700  }
0x97: {  	[sflag:s0] =	ssyncset.done @!p0 $0x0  }
0x98: {  	[sflag:s0] =	ssyncadd.s32 @!p0 $0xFFFFD900  }
0x99: {  	_ =	sfence.sel $0x180000  }
0x9a: {  	[bflag:$0x0] =	sbarrier.arrive $0xFFFF  }
0x9b: {  	_ =	strace $0x90000047  }
0x9c: {  	s0 =	stileid.u32;
	[bflag:$0x2] =	sbarrier.arrive $0xFFFF  }
0x9d: {  	p0 =	sne.s32 s0, $0x0;
	s0 =	rddreg [dreg:$0x2]  }
0x9e: {  	s0 =	sadd.s32 @!p0 $0x100000, s0  }
0x9f: {  	[sflag:s0] =	ssyncadd.tile.s32 @!p0 $0x1;
	_ =	shalt  }
.Lfunc_end2:
_tile_overlayer_lowered:
.L_overlay_start_2:
0xa0: {  	(tag) =	ssettag $0x2  }
0xa1: {  	s0 =	rddreg [dreg:$0x0];
	s2 =	stileid.u32  }
0xa2: {  	s1 =	rddreg [dreg:$0x1];
	p0 =	sne.s32 s2, $0x0  }
0xa3: {  	s3 =	rddreg [dreg:$0x2];
	[bflag:$0x3] =	sbarrier.arrive $0xFFFF;
	s2 =	simm.s32 @!p0 $0x1C03  }
0xa4: {  	[timem:s3], [sflag:s2] =	dma.local @!p0 [hbm:s0], s1  }
0xa5: {  	s0 =	simm.s32 @!p0 $0x3  }
0xa6: {  	_ =	swait.ge @!p0 [sflag:s0], s1  }
0xa7: {  	s1 =	ssub.s32 @!p0 $0x0, s1;
	[sflag:s0] =	ssyncset.done @!p0 $0x0  }
0xa8: {  	[sflag:s0] =	ssyncadd.s32 @!p0 s1  }
0xa9: {  	[bflag:$0x3] =	sbarrier.arrive $0xFFFF  }
0xaa: {  	_ =	shalt  }

</sc_bundles>
